<compile_context>
chip_gen: v7x
topology: tpu7x:2x2x1
jax: 0.10.2.dev20260603
libtpu: 0.0.44.dev20260713+nightly
codegen_flags: <defaults>
</compile_context>

<pallas_src>
import functools

import jax
import jax.numpy as jnp
from jax import lax
from jax.experimental import pallas as pl
from jax.experimental.pallas import tpu as pltpu
from jax.experimental.pallas import tpu_sc as plsc

B = 16384
F_CAT = 26
F_CONT = 13
V = 100000
ROW = V + 1
D = 32
EPS = 1e-5

_NC = 2
_NS = 16
_NW = _NC * _NS
_PAIRS = F_CAT * D
_PPW = _PAIRS // _NW
_OCH = 4096
_LANES = 16


def _sc_gather_body(tbl, idx, out, vec_v, idx_v, outa_v, outb_v, osem):
    wid = lax.axis_index("s") * _NC + lax.axis_index("c")
    obufs = (outa_v, outb_v)

    def pair_body(t, carry):
        p = wid * _PPW + t
        f = p // D
        d = p - f * D
        pltpu.sync_copy(tbl.at[f, d], vec_v)

        @pl.when(jnp.logical_or(p % D == 0, t == 0))
        def _():
            pltpu.sync_copy(idx.at[f], idx_v)

        for c in range(B // _OCH):
            ob = obufs[c % 2]
            if c >= 2:
                pltpu.make_async_copy(
                    out.at[0, pl.ds(0, _OCH)], ob, osem
                ).wait()
            else:

                @pl.when(t > 0)
                def _():
                    pltpu.make_async_copy(
                        out.at[0, pl.ds(0, _OCH)], ob, osem
                    ).wait()

            @plsc.parallel_loop(0, _OCH // _LANES, unroll=16)
            def gather_body(k):
                iv = idx_v[pl.ds(c * _OCH + k * _LANES, _LANES)]
                ob[pl.ds(k * _LANES, _LANES)] = plsc.load_gather(
                    vec_v, [iv]
                )

            pltpu.async_copy(ob, out.at[p, pl.ds(c * _OCH, _OCH)], osem)
        return carry

    lax.fori_loop(0, _PPW, pair_body, 0)
    for _ in range(2):
        pltpu.make_async_copy(out.at[0, pl.ds(0, _OCH)], outa_v, osem).wait()


def _make_sc_gather():
    mesh = plsc.VectorSubcoreMesh(core_axis_name="c", subcore_axis_name="s")
    return functools.partial(
        pl.kernel,
        mesh=mesh,
        compiler_params=pltpu.CompilerParams(needs_layout_passes=False),
        out_type=jax.ShapeDtypeStruct((_PAIRS + F_CONT, B), jnp.float32),
        scratch_types=[
            pltpu.VMEM((ROW,), jnp.float32),
            pltpu.VMEM((B,), jnp.int32),
            pltpu.VMEM((_OCH,), jnp.float32),
            pltpu.VMEM((_OCH,), jnp.float32),
            pltpu.SemaphoreType.DMA,
        ],
    )(_sc_gather_body)


_LN_BLK = 2048


def _ln_body(o_ref, x_ref, gamma_ref, beta_ref, out_ref):
    xc = x_ref[...][:, F_CAT:]
    mu = jnp.mean(xc, axis=-1, keepdims=True)
    var = jnp.mean((xc - mu) * (xc - mu), axis=-1, keepdims=True)
    xcn = (xc - mu) * lax.rsqrt(var + EPS)
    xcn = xcn * gamma_ref[...] + beta_ref[...]
    pad = jnp.zeros((3, _LN_BLK), jnp.float32)
    out_ref[...] = jnp.concatenate([xcn.T, pad], axis=0)


def _make_ln_call():
    return pl.pallas_call(
        _ln_body,
        grid=(B // _LN_BLK,),
        in_specs=[
            pl.BlockSpec((16, _LN_BLK), lambda i: (_PAIRS // 16, i)),
            pl.BlockSpec((_LN_BLK, F_CAT + F_CONT), lambda i: (i, 0)),
            pl.BlockSpec((1, F_CONT), lambda i: (0, 0)),
            pl.BlockSpec((1, F_CONT), lambda i: (0, 0)),
        ],
        out_specs=pl.BlockSpec((16, _LN_BLK), lambda i: (_PAIRS // 16, i)),
        out_shape=jax.ShapeDtypeStruct((_PAIRS + F_CONT, B), jnp.float32),
        input_output_aliases={0: 0},
    )




@jax.jit
def kernel(X, tables, gamma, beta):
    tbl_t = jnp.swapaxes(tables, 1, 2)
    idx_t = X[:, :F_CAT].astype(jnp.int32).T.copy()
    out_t = _make_sc_gather()(tbl_t, idx_t)
    out_t = _make_ln_call()(
        out_t, X, gamma.reshape(1, F_CONT), beta.reshape(1, F_CONT)
    )
    return out_t.T

# --- scband reference (transcript-rebuilt; emitter-appended) ---
"""Pipeline reference for scband-embeddings-and-continuous-52089363366338 (READ-ONLY COPY).

The authoritative reference and input builder live on the scoring server;
editing this copy changes nothing except your own understanding.
"""

import jax, jax.numpy as jnp
import numpy as np

B = 16384
F_CAT = 26
F_CONT = 13
V = 100000  # vocab per field; table rows = V + 1 (padding_idx=0)
D = 32
EPS = 1e-5


def setup_inputs(seed: int = 0) -> dict:
    key = jax.random.key(seed)
    k1, k2, k3 = jax.random.split(key, 3)
    # first 26 columns: categorical indices in [1, V] (0 reserved as padding row), stored as float
    cat = jax.random.randint(k1, (B, F_CAT), 1, V + 1)
    cont = jax.random.normal(k2, (B, F_CONT), dtype=jnp.float32)
    X = jnp.concatenate([cat.astype(jnp.float32), cont], axis=1)
    # 26 embedding tables, same vocab/dim -> stacked [26, V+1, 32]; padding row zeroed
    tables = jax.random.normal(k3, (F_CAT, V + 1, D), dtype=jnp.float32) * 0.02
    tables = tables.at[:, 0, :].set(0.0)
    # LayerNorm(13) params
    gamma = jnp.ones((F_CONT,), dtype=jnp.float32)
    beta = jnp.zeros((F_CONT,), dtype=jnp.float32)
    return {"X": X, "tables": tables, "gamma": gamma, "beta": beta}


def reference(X, tables, gamma, beta):
    # per-field embedding lookup: emb_layer_col(X[:, col_idx].long())
    idx = X[:, :F_CAT].astype(jnp.int32)  # [B, 26]
    emb = jax.vmap(lambda t, i: t[i], in_axes=(0, 1), out_axes=1)(tables, idx)  # [B, 26, 32]
    x = emb.reshape(emb.shape[0], F_CAT * D)  # torch.cat(embed, 1)
    # embedding_dropout with p=0.0 -> identity (eval semantics)
    # continuous part + LayerNorm
    xc = X[:, F_CAT:]
    mu = jnp.mean(xc, axis=-1, keepdims=True)
    var = jnp.var(xc, axis=-1, keepdims=True)
    xcn = (xc - mu) / jnp.sqrt(var + EPS) * gamma + beta
    return jnp.concatenate([x, xcn], axis=1)  # [B, 26*32 + 13] = [B, 845]

if __name__ == "__main__":
    import jax
    _d = setup_inputs()
    print(jax.jit(kernel)(*tuple(_d.values())))

</pallas_src>

<mosaic_0001>
#map = affine_map<(d0, d1) -> (0, 0, 0)>
#map1 = affine_map<(d0, d1) -> (0, 0)>
module attributes {stable_mosaic.version = 14 : i64} {
  func.func @_sc_gather_body(%arg0: i32, %arg1: i32, %arg2: memref<26x32x100001xf32, #tpu.memory_space<hbm>>, %arg3: memref<26x16384xi32, #tpu.memory_space<hbm>>, %arg4: memref<845x16384xf32, #tpu.memory_space<hbm>>, %arg5: memref<100001xf32, #tpu.memory_space<vmem>>, %arg6: memref<16384xi32, #tpu.memory_space<vmem>>, %arg7: memref<4096xf32, #tpu.memory_space<vmem>>, %arg8: memref<4096xf32, #tpu.memory_space<vmem>>, %arg9: memref<!tpu.dma_semaphore, #tpu.memory_space<semaphore_mem>>) attributes {dimension_semantics = [#tpu.dimension_semantics<core_parallel>, #tpu.dimension_semantics<subcore_parallel>], iteration_bounds = array<i64: 2, 16>, scalar_prefetch = 0 : i64, scratch_operands = 5 : i64, tpu.core_type = #tpu.core_type<sc_vector_subcore>, window_params = [{transform_indices = #map}, {transform_indices = #map1}, {transform_indices = #map1}]} {
    %mul3A = arith.constant 2 : i32
    %mul3A_0 = arith.muli %arg1, %mul3A : i32
    %add3A = arith.addi %mul3A_0, %arg0 : i32
    %scan3A = arith.constant 0 : i32
    %scan3A_1 = arith.constant 0 : i32
    %scan3A_2 = arith.constant 26 : i32
    %scan3A_3 = arith.addi %scan3A_1, %scan3A_2 : i32
    %scan3A_4 = arith.constant 1 : i32
    scf.for %scan3A_19 = %scan3A_1 to %scan3A_3 step %scan3A_4  : i32 {
      %mul3A_20 = arith.constant 26 : i32
      %mul3A_21 = arith.muli %add3A, %mul3A_20 : i32
      %add3A_22 = arith.addi %mul3A_21, %scan3A_19 : i32
      %jit3A = arith.constant 32 : i32
      %div3A = arith.divsi %add3A_22, %jit3A : i32
      %sign3A = arith.constant 0 : i32
      %sign3A_23 = arith.cmpi sgt, %add3A_22, %sign3A : i32
      %sign3A_24 = arith.extui %sign3A_23 : i1 to i32
      %sign3A_25 = arith.constant 0 : i32
      %sign3A_26 = arith.cmpi slt, %add3A_22, %sign3A_25 : i32
      %sign3A_27 = arith.extui %sign3A_26 : i1 to i32
      %sign3A_28 = arith.subi %sign3A_24, %sign3A_27 : i32
      %sign3A_29 = arith.constant 0 : i32
      %sign3A_30 = arith.cmpi sgt, %jit3A, %sign3A_29 : i32
      %sign3A_31 = arith.extui %sign3A_30 : i1 to i32
      %sign3A_32 = arith.constant 0 : i32
      %sign3A_33 = arith.cmpi slt, %jit3A, %sign3A_32 : i32
      %sign3A_34 = arith.extui %sign3A_33 : i1 to i32
      %sign3A_35 = arith.subi %sign3A_31, %sign3A_34 : i32
      %ne3A = arith.cmpi ne, %sign3A_28, %sign3A_35 : i32
      %rem3A = arith.remsi %add3A_22, %jit3A : i32
      %ne3A_36 = arith.constant 0 : i32
      %ne3A_37 = arith.cmpi ne, %rem3A, %ne3A_36 : i32
      %and3A = arith.andi %ne3A, %ne3A_37 : i1
      %sub3A = arith.constant 1 : i32
      %sub3A_38 = arith.subi %div3A, %sub3A : i32
      %select_n3A = arith.select %and3A, %sub3A_38, %div3A : i32
      %mul3A_39 = arith.constant 32 : i32
      %mul3A_40 = arith.muli %select_n3A, %mul3A_39 : i32
      %sub3A_41 = arith.subi %add3A_22, %mul3A_40 : i32
      "tpu.region"() ({
        %run_scoped3A = tpu.sem_alloc : memref<!tpu.dma_semaphore, #tpu.memory_space<semaphore_mem>>
        %dma_start3A_118 = arith.constant 0 : i32
        %dma_start3A_119 = tpu.memref_slice %arg2[%select_n3A, %sub3A_41, %dma_start3A_118] : memref<26x32x100001xf32, #tpu.memory_space<hbm>> -> memref<1x1x100001xf32, #tpu.memory_space<hbm>>
        %dma_start3A_120 = tpu.memref_squeeze %dma_start3A_119 : memref<1x1x100001xf32, #tpu.memory_space<hbm>> -> memref<100001xf32, #tpu.memory_space<hbm>>
        %dma_start3A_121 = arith.constant 0 : i32
        %dma_start3A_122 = tpu.memref_slice %arg2[%select_n3A, %sub3A_41, %dma_start3A_121] : memref<26x32x100001xf32, #tpu.memory_space<hbm>> -> memref<1x1x100001xf32, #tpu.memory_space<hbm>>
        %dma_start3A_123 = tpu.memref_squeeze %dma_start3A_122 : memref<1x1x100001xf32, #tpu.memory_space<hbm>> -> memref<100001xf32, #tpu.memory_space<hbm>>
        tpu.enqueue_dma source(%dma_start3A_123 : memref<100001xf32, #tpu.memory_space<hbm>>) target(%arg5 : memref<100001xf32, #tpu.memory_space<vmem>>) target_semaphore(%run_scoped3A : memref<!tpu.dma_semaphore, #tpu.memory_space<semaphore_mem>>)
        %dma_wait3A_124 = arith.constant 0 : i32
        %dma_wait3A_125 = tpu.memref_slice %arg2[%select_n3A, %sub3A_41, %dma_wait3A_124] : memref<26x32x100001xf32, #tpu.memory_space<hbm>> -> memref<1x1x100001xf32, #tpu.memory_space<hbm>>
        %dma_wait3A_126 = tpu.memref_squeeze %dma_wait3A_125 : memref<1x1x100001xf32, #tpu.memory_space<hbm>> -> memref<100001xf32, #tpu.memory_space<hbm>>
        %dma_wait3A_127 = arith.constant 0 : i32
        %dma_wait3A_128 = tpu.memref_slice %arg2[%select_n3A, %sub3A_41, %dma_wait3A_127] : memref<26x32x100001xf32, #tpu.memory_space<hbm>> -> memref<1x1x100001xf32, #tpu.memory_space<hbm>>
        %dma_wait3A_129 = tpu.memref_squeeze %dma_wait3A_128 : memref<1x1x100001xf32, #tpu.memory_space<hbm>> -> memref<100001xf32, #tpu.memory_space<hbm>>
        tpu.wait_dma2 semaphore(%run_scoped3A : memref<!tpu.dma_semaphore, #tpu.memory_space<semaphore_mem>>) src(%dma_wait3A_129 : memref<100001xf32, #tpu.memory_space<hbm>>) dst(%arg5 : memref<100001xf32, #tpu.memory_space<vmem>>)
        tpu.yield
      }) : () -> ()
      %jit3A_42 = arith.constant 32 : i32
      %eq3A = arith.constant 0 : i32
      %eq3A_43 = arith.cmpi eq, %jit3A_42, %eq3A : i32
      %jit3A_44 = arith.constant 1 : i32
      %select_n3A_45 = arith.select %eq3A_43, %jit3A_44, %jit3A_42 : i32
      %rem3A_46 = arith.remsi %add3A_22, %select_n3A_45 : i32
      %ne3A_47 = arith.constant 0 : i32
      %ne3A_48 = arith.cmpi ne, %rem3A_46, %ne3A_47 : i32
      %lt3A = arith.constant 0 : i32
      %lt3A_49 = arith.cmpi slt, %rem3A_46, %lt3A : i32
      %lt3A_50 = arith.constant 0 : i32
      %lt3A_51 = arith.cmpi slt, %select_n3A_45, %lt3A_50 : i32
      %ne3A_52 = arith.xori %lt3A_49, %lt3A_51 : i1
      %and3A_53 = arith.andi %ne3A_52, %ne3A_48 : i1
      %add3A_54 = arith.addi %rem3A_46, %select_n3A_45 : i32
      %select_n3A_55 = arith.select %and3A_53, %add3A_54, %rem3A_46 : i32
      %eq3A_56 = arith.constant 0 : i32
      %eq3A_57 = arith.cmpi eq, %select_n3A_55, %eq3A_56 : i32
      %eq3A_58 = arith.constant 0 : i32
      %eq3A_59 = arith.cmpi eq, %scan3A_19, %eq3A_58 : i32
      %or3A = arith.ori %eq3A_57, %eq3A_59 : i1
      %convert_element_type3A = arith.extui %or3A : i1 to i32
      %cond3A = arith.constant 0 : i32
      %cond3A_60 = arith.cmpi ne, %convert_element_type3A, %cond3A : i32
      scf.if %cond3A_60 {
        "tpu.region"() ({
          %run_scoped3A = tpu.sem_alloc : memref<!tpu.dma_semaphore, #tpu.memory_space<semaphore_mem>>
          %dma_start3A_118 = arith.constant 0 : i32
          %dma_start3A_119 = tpu.memref_slice %arg3[%select_n3A, %dma_start3A_118] : memref<26x16384xi32, #tpu.memory_space<hbm>> -> memref<1x16384xi32, #tpu.memory_space<hbm>>
          %dma_start3A_120 = tpu.memref_squeeze %dma_start3A_119 : memref<1x16384xi32, #tpu.memory_space<hbm>> -> memref<16384xi32, #tpu.memory_space<hbm>>
          %dma_start3A_121 = arith.constant 0 : i32
          %dma_start3A_122 = tpu.memref_slice %arg3[%select_n3A, %dma_start3A_121] : memref<26x16384xi32, #tpu.memory_space<hbm>> -> memref<1x16384xi32, #tpu.memory_space<hbm>>
          %dma_start3A_123 = tpu.memref_squeeze %dma_start3A_122 : memref<1x16384xi32, #tpu.memory_space<hbm>> -> memref<16384xi32, #tpu.memory_space<hbm>>
          tpu.enqueue_dma source(%dma_start3A_123 : memref<16384xi32, #tpu.memory_space<hbm>>) target(%arg6 : memref<16384xi32, #tpu.memory_space<vmem>>) target_semaphore(%run_scoped3A : memref<!tpu.dma_semaphore, #tpu.memory_space<semaphore_mem>>)
          %dma_wait3A_124 = arith.constant 0 : i32
          %dma_wait3A_125 = tpu.memref_slice %arg3[%select_n3A, %dma_wait3A_124] : memref<26x16384xi32, #tpu.memory_space<hbm>> -> memref<1x16384xi32, #tpu.memory_space<hbm>>
          %dma_wait3A_126 = tpu.memref_squeeze %dma_wait3A_125 : memref<1x16384xi32, #tpu.memory_space<hbm>> -> memref<16384xi32, #tpu.memory_space<hbm>>
          %dma_wait3A_127 = arith.constant 0 : i32
          %dma_wait3A_128 = tpu.memref_slice %arg3[%select_n3A, %dma_wait3A_127] : memref<26x16384xi32, #tpu.memory_space<hbm>> -> memref<1x16384xi32, #tpu.memory_space<hbm>>
          %dma_wait3A_129 = tpu.memref_squeeze %dma_wait3A_128 : memref<1x16384xi32, #tpu.memory_space<hbm>> -> memref<16384xi32, #tpu.memory_space<hbm>>
          tpu.wait_dma2 semaphore(%run_scoped3A : memref<!tpu.dma_semaphore, #tpu.memory_space<semaphore_mem>>) src(%dma_wait3A_129 : memref<16384xi32, #tpu.memory_space<hbm>>) dst(%arg6 : memref<16384xi32, #tpu.memory_space<vmem>>)
          tpu.yield
        }) : () -> ()
      } else {
      }
      %gt3A = arith.constant 0 : i32
      %gt3A_61 = arith.cmpi sgt, %scan3A_19, %gt3A : i32
      %convert_element_type3A_62 = arith.extui %gt3A_61 : i1 to i32
      %cond3A_63 = arith.constant 0 : i32
      %cond3A_64 = arith.cmpi ne, %convert_element_type3A_62, %cond3A_63 : i32
      scf.if %cond3A_64 {
        %dma_wait3A_118 = arith.constant 0 : i32
        %dma_wait3A_119 = arith.constant 0 : i32
        %dma_wait3A_120 = tpu.memref_slice %arg4[%dma_wait3A_118, %dma_wait3A_119] : memref<845x16384xf32, #tpu.memory_space<hbm>> -> memref<1x4096xf32, #tpu.memory_space<hbm>>
        %dma_wait3A_121 = tpu.memref_squeeze %dma_wait3A_120 : memref<1x4096xf32, #tpu.memory_space<hbm>> -> memref<4096xf32, #tpu.memory_space<hbm>>
        %dma_wait3A_122 = arith.constant 0 : i32
        %dma_wait3A_123 = tpu.memref_slice %arg4[%dma_wait3A_118, %dma_wait3A_122] : memref<845x16384xf32, #tpu.memory_space<hbm>> -> memref<1x4096xf32, #tpu.memory_space<hbm>>
        %dma_wait3A_124 = tpu.memref_squeeze %dma_wait3A_123 : memref<1x4096xf32, #tpu.memory_space<hbm>> -> memref<4096xf32, #tpu.memory_space<hbm>>
        tpu.wait_dma2 semaphore(%arg9 : memref<!tpu.dma_semaphore, #tpu.memory_space<semaphore_mem>>) src(%dma_wait3A_124 : memref<4096xf32, #tpu.memory_space<hbm>>) dst(%arg7 : memref<4096xf32, #tpu.memory_space<vmem>>)
      } else {
      }
      %parallel_loop3A = arith.constant 0 : i32
      %parallel_loop3A_65 = arith.constant 256 : i32
      %parallel_loop3A_66 = arith.constant 1 : i32
      scf.for %parallel_loop3A_118 = %parallel_loop3A to %parallel_loop3A_65 step %parallel_loop3A_66  : i32 {
        %parallel_loop3A_119 = arith.constant 16 : i32
        %parallel_loop3A_120 = arith.muli %parallel_loop3A_118, %parallel_loop3A_119 : i32
        %parallel_loop3A_121 = arith.constant 0 : i32
        %parallel_loop3A_122 = arith.addi %parallel_loop3A_121, %parallel_loop3A_120 : i32
        %parallel_loop3A_123 = arith.index_cast %parallel_loop3A_122 : i32 to index
        %parallel_loop3A_124 = tpu.vector_load %arg6[%parallel_loop3A_123] {strides = array<i32>} : memref<16384xi32, #tpu.memory_space<vmem>>, vector<16xi32>,
        %parallel_loop3A_125 = tpu.vector_load_idx %arg5[%parallel_loop3A_124] : memref<100001xf32, #tpu.memory_space<vmem>>[vector<16xi32>], vector<16xf32>,
        %parallel_loop3A_126 = arith.constant 16 : i32
        %parallel_loop3A_127 = arith.muli %parallel_loop3A_118, %parallel_loop3A_126 : i32
        %parallel_loop3A_128 = arith.index_cast %parallel_loop3A_127 : i32 to index
        %parallel_loop3A_129 = tpu.vector_load %arg7[%parallel_loop3A_128] {strides = array<i32>} : memref<4096xf32, #tpu.memory_space<vmem>>, vector<16xf32>,
        tpu.vector_store %arg7[%parallel_loop3A_128], %parallel_loop3A_125 {strides = array<i32>} : memref<4096xf32, #tpu.memory_space<vmem>>, vector<16xf32>,
      } {sc.loop_unroll_factor = 16 : i64, sc.parallel_access}
      %dma_start3A = arith.constant 0 : i32
      %dma_start3A_67 = tpu.memref_slice %arg4[%add3A_22, %dma_start3A] : memref<845x16384xf32, #tpu.memory_space<hbm>> -> memref<1x4096xf32, #tpu.memory_space<hbm>>
      %dma_start3A_68 = tpu.memref_squeeze %dma_start3A_67 : memref<1x4096xf32, #tpu.memory_space<hbm>> -> memref<4096xf32, #tpu.memory_space<hbm>>
      %dma_start3A_69 = arith.constant 0 : i32
      %dma_start3A_70 = tpu.memref_slice %arg4[%add3A_22, %dma_start3A_69] : memref<845x16384xf32, #tpu.memory_space<hbm>> -> memref<1x4096xf32, #tpu.memory_space<hbm>>
      %dma_start3A_71 = tpu.memref_squeeze %dma_start3A_70 : memref<1x4096xf32, #tpu.memory_space<hbm>> -> memref<4096xf32, #tpu.memory_space<hbm>>
      tpu.enqueue_dma source(%arg7 : memref<4096xf32, #tpu.memory_space<vmem>>) target(%dma_start3A_71 : memref<4096xf32, #tpu.memory_space<hbm>>) target_semaphore(%arg9 : memref<!tpu.dma_semaphore, #tpu.memory_space<semaphore_mem>>)
      %gt3A_72 = arith.constant 0 : i32
      %gt3A_73 = arith.cmpi sgt, %scan3A_19, %gt3A_72 : i32
      %convert_element_type3A_74 = arith.extui %gt3A_73 : i1 to i32
      %cond3A_75 = arith.constant 0 : i32
      %cond3A_76 = arith.cmpi ne, %convert_element_type3A_74, %cond3A_75 : i32
      scf.if %cond3A_76 {
        %dma_wait3A_118 = arith.constant 0 : i32
        %dma_wait3A_119 = arith.constant 0 : i32
        %dma_wait3A_120 = tpu.memref_slice %arg4[%dma_wait3A_118, %dma_wait3A_119] : memref<845x16384xf32, #tpu.memory_space<hbm>> -> memref<1x4096xf32, #tpu.memory_space<hbm>>
        %dma_wait3A_121 = tpu.memref_squeeze %dma_wait3A_120 : memref<1x4096xf32, #tpu.memory_space<hbm>> -> memref<4096xf32, #tpu.memory_space<hbm>>
        %dma_wait3A_122 = arith.constant 0 : i32
        %dma_wait3A_123 = tpu.memref_slice %arg4[%dma_wait3A_118, %dma_wait3A_122] : memref<845x16384xf32, #tpu.memory_space<hbm>> -> memref<1x4096xf32, #tpu.memory_space<hbm>>
        %dma_wait3A_124 = tpu.memref_squeeze %dma_wait3A_123 : memref<1x4096xf32, #tpu.memory_space<hbm>> -> memref<4096xf32, #tpu.memory_space<hbm>>
        tpu.wait_dma2 semaphore(%arg9 : memref<!tpu.dma_semaphore, #tpu.memory_space<semaphore_mem>>) src(%dma_wait3A_124 : memref<4096xf32, #tpu.memory_space<hbm>>) dst(%arg8 : memref<4096xf32, #tpu.memory_space<vmem>>)
      } else {
      }
      %parallel_loop3A_77 = arith.constant 0 : i32
      %parallel_loop3A_78 = arith.constant 256 : i32
      %parallel_loop3A_79 = arith.constant 1 : i32
      scf.for %parallel_loop3A_118 = %parallel_loop3A_77 to %parallel_loop3A_78 step %parallel_loop3A_79  : i32 {
        %parallel_loop3A_119 = arith.constant 16 : i32
        %parallel_loop3A_120 = arith.muli %parallel_loop3A_118, %parallel_loop3A_119 : i32
        %parallel_loop3A_121 = arith.constant 4096 : i32
        %parallel_loop3A_122 = arith.addi %parallel_loop3A_121, %parallel_loop3A_120 : i32
        %parallel_loop3A_123 = arith.index_cast %parallel_loop3A_122 : i32 to index
        %parallel_loop3A_124 = tpu.vector_load %arg6[%parallel_loop3A_123] {strides = array<i32>} : memref<16384xi32, #tpu.memory_space<vmem>>, vector<16xi32>,
        %parallel_loop3A_125 = tpu.vector_load_idx %arg5[%parallel_loop3A_124] : memref<100001xf32, #tpu.memory_space<vmem>>[vector<16xi32>], vector<16xf32>,
        %parallel_loop3A_126 = arith.constant 16 : i32
        %parallel_loop3A_127 = arith.muli %parallel_loop3A_118, %parallel_loop3A_126 : i32
        %parallel_loop3A_128 = arith.index_cast %parallel_loop3A_127 : i32 to index
        %parallel_loop3A_129 = tpu.vector_load %arg8[%parallel_loop3A_128] {strides = array<i32>} : memref<4096xf32, #tpu.memory_space<vmem>>, vector<16xf32>,
        tpu.vector_store %arg8[%parallel_loop3A_128], %parallel_loop3A_125 {strides = array<i32>} : memref<4096xf32, #tpu.memory_space<vmem>>, vector<16xf32>,
      } {sc.loop_unroll_factor = 16 : i64, sc.parallel_access}
      %dma_start3A_80 = arith.constant 4096 : i32
      %dma_start3A_81 = tpu.memref_slice %arg4[%add3A_22, %dma_start3A_80] : memref<845x16384xf32, #tpu.memory_space<hbm>> -> memref<1x4096xf32, #tpu.memory_space<hbm>>
      %dma_start3A_82 = tpu.memref_squeeze %dma_start3A_81 : memref<1x4096xf32, #tpu.memory_space<hbm>> -> memref<4096xf32, #tpu.memory_space<hbm>>
      %dma_start3A_83 = arith.constant 4096 : i32
      %dma_start3A_84 = tpu.memref_slice %arg4[%add3A_22, %dma_start3A_83] : memref<845x16384xf32, #tpu.memory_space<hbm>> -> memref<1x4096xf32, #tpu.memory_space<hbm>>
      %dma_start3A_85 = tpu.memref_squeeze %dma_start3A_84 : memref<1x4096xf32, #tpu.memory_space<hbm>> -> memref<4096xf32, #tpu.memory_space<hbm>>
      tpu.enqueue_dma source(%arg8 : memref<4096xf32, #tpu.memory_space<vmem>>) target(%dma_start3A_85 : memref<4096xf32, #tpu.memory_space<hbm>>) target_semaphore(%arg9 : memref<!tpu.dma_semaphore, #tpu.memory_space<semaphore_mem>>)
      %dma_wait3A_86 = arith.constant 0 : i32
      %dma_wait3A_87 = arith.constant 0 : i32
      %dma_wait3A_88 = tpu.memref_slice %arg4[%dma_wait3A_86, %dma_wait3A_87] : memref<845x16384xf32, #tpu.memory_space<hbm>> -> memref<1x4096xf32, #tpu.memory_space<hbm>>
      %dma_wait3A_89 = tpu.memref_squeeze %dma_wait3A_88 : memref<1x4096xf32, #tpu.memory_space<hbm>> -> memref<4096xf32, #tpu.memory_space<hbm>>
      %dma_wait3A_90 = arith.constant 0 : i32
      %dma_wait3A_91 = tpu.memref_slice %arg4[%dma_wait3A_86, %dma_wait3A_90] : memref<845x16384xf32, #tpu.memory_space<hbm>> -> memref<1x4096xf32, #tpu.memory_space<hbm>>
      %dma_wait3A_92 = tpu.memref_squeeze %dma_wait3A_91 : memref<1x4096xf32, #tpu.memory_space<hbm>> -> memref<4096xf32, #tpu.memory_space<hbm>>
      tpu.wait_dma2 semaphore(%arg9 : memref<!tpu.dma_semaphore, #tpu.memory_space<semaphore_mem>>) src(%dma_wait3A_92 : memref<4096xf32, #tpu.memory_space<hbm>>) dst(%arg7 : memref<4096xf32, #tpu.memory_space<vmem>>)
      %parallel_loop3A_93 = arith.constant 0 : i32
      %parallel_loop3A_94 = arith.constant 256 : i32
      %parallel_loop3A_95 = arith.constant 1 : i32
      scf.for %parallel_loop3A_118 = %parallel_loop3A_93 to %parallel_loop3A_94 step %parallel_loop3A_95  : i32 {
        %parallel_loop3A_119 = arith.constant 16 : i32
        %parallel_loop3A_120 = arith.muli %parallel_loop3A_118, %parallel_loop3A_119 : i32
        %parallel_loop3A_121 = arith.constant 8192 : i32
        %parallel_loop3A_122 = arith.addi %parallel_loop3A_121, %parallel_loop3A_120 : i32
        %parallel_loop3A_123 = arith.index_cast %parallel_loop3A_122 : i32 to index
        %parallel_loop3A_124 = tpu.vector_load %arg6[%parallel_loop3A_123] {strides = array<i32>} : memref<16384xi32, #tpu.memory_space<vmem>>, vector<16xi32>,
        %parallel_loop3A_125 = tpu.vector_load_idx %arg5[%parallel_loop3A_124] : memref<100001xf32, #tpu.memory_space<vmem>>[vector<16xi32>], vector<16xf32>,
        %parallel_loop3A_126 = arith.constant 16 : i32
        %parallel_loop3A_127 = arith.muli %parallel_loop3A_118, %parallel_loop3A_126 : i32
        %parallel_loop3A_128 = arith.index_cast %parallel_loop3A_127 : i32 to index
        %parallel_loop3A_129 = tpu.vector_load %arg7[%parallel_loop3A_128] {strides = array<i32>} : memref<4096xf32, #tpu.memory_space<vmem>>, vector<16xf32>,
        tpu.vector_store %arg7[%parallel_loop3A_128], %parallel_loop3A_125 {strides = array<i32>} : memref<4096xf32, #tpu.memory_space<vmem>>, vector<16xf32>,
      } {sc.loop_unroll_factor = 16 : i64, sc.parallel_access}
      %dma_start3A_96 = arith.constant 8192 : i32
      %dma_start3A_97 = tpu.memref_slice %arg4[%add3A_22, %dma_start3A_96] : memref<845x16384xf32, #tpu.memory_space<hbm>> -> memref<1x4096xf32, #tpu.memory_space<hbm>>
      %dma_start3A_98 = tpu.memref_squeeze %dma_start3A_97 : memref<1x4096xf32, #tpu.memory_space<hbm>> -> memref<4096xf32, #tpu.memory_space<hbm>>
      %dma_start3A_99 = arith.constant 8192 : i32
      %dma_start3A_100 = tpu.memref_slice %arg4[%add3A_22, %dma_start3A_99] : memref<845x16384xf32, #tpu.memory_space<hbm>> -> memref<1x4096xf32, #tpu.memory_space<hbm>>
      %dma_start3A_101 = tpu.memref_squeeze %dma_start3A_100 : memref<1x4096xf32, #tpu.memory_space<hbm>> -> memref<4096xf32, #tpu.memory_space<hbm>>
      tpu.enqueue_dma source(%arg7 : memref<4096xf32, #tpu.memory_space<vmem>>) target(%dma_start3A_101 : memref<4096xf32, #tpu.memory_space<hbm>>) target_semaphore(%arg9 : memref<!tpu.dma_semaphore, #tpu.memory_space<semaphore_mem>>)
      %dma_wait3A_102 = arith.constant 0 : i32
      %dma_wait3A_103 = arith.constant 0 : i32
      %dma_wait3A_104 = tpu.memref_slice %arg4[%dma_wait3A_102, %dma_wait3A_103] : memref<845x16384xf32, #tpu.memory_space<hbm>> -> memref<1x4096xf32, #tpu.memory_space<hbm>>
      %dma_wait3A_105 = tpu.memref_squeeze %dma_wait3A_104 : memref<1x4096xf32, #tpu.memory_space<hbm>> -> memref<4096xf32, #tpu.memory_space<hbm>>
      %dma_wait3A_106 = arith.constant 0 : i32
      %dma_wait3A_107 = tpu.memref_slice %arg4[%dma_wait3A_102, %dma_wait3A_106] : memref<845x16384xf32, #tpu.memory_space<hbm>> -> memref<1x4096xf32, #tpu.memory_space<hbm>>
      %dma_wait3A_108 = tpu.memref_squeeze %dma_wait3A_107 : memref<1x4096xf32, #tpu.memory_space<hbm>> -> memref<4096xf32, #tpu.memory_space<hbm>>
      tpu.wait_dma2 semaphore(%arg9 : memref<!tpu.dma_semaphore, #tpu.memory_space<semaphore_mem>>) src(%dma_wait3A_108 : memref<4096xf32, #tpu.memory_space<hbm>>) dst(%arg8 : memref<4096xf32, #tpu.memory_space<vmem>>)
      %parallel_loop3A_109 = arith.constant 0 : i32
      %parallel_loop3A_110 = arith.constant 256 : i32
      %parallel_loop3A_111 = arith.constant 1 : i32
      scf.for %parallel_loop3A_118 = %parallel_loop3A_109 to %parallel_loop3A_110 step %parallel_loop3A_111  : i32 {
        %parallel_loop3A_119 = arith.constant 16 : i32
        %parallel_loop3A_120 = arith.muli %parallel_loop3A_118, %parallel_loop3A_119 : i32
        %parallel_loop3A_121 = arith.constant 12288 : i32
        %parallel_loop3A_122 = arith.addi %parallel_loop3A_121, %parallel_loop3A_120 : i32
        %parallel_loop3A_123 = arith.index_cast %parallel_loop3A_122 : i32 to index
        %parallel_loop3A_124 = tpu.vector_load %arg6[%parallel_loop3A_123] {strides = array<i32>} : memref<16384xi32, #tpu.memory_space<vmem>>, vector<16xi32>,
        %parallel_loop3A_125 = tpu.vector_load_idx %arg5[%parallel_loop3A_124] : memref<100001xf32, #tpu.memory_space<vmem>>[vector<16xi32>], vector<16xf32>,
        %parallel_loop3A_126 = arith.constant 16 : i32
        %parallel_loop3A_127 = arith.muli %parallel_loop3A_118, %parallel_loop3A_126 : i32
        %parallel_loop3A_128 = arith.index_cast %parallel_loop3A_127 : i32 to index
        %parallel_loop3A_129 = tpu.vector_load %arg8[%parallel_loop3A_128] {strides = array<i32>} : memref<4096xf32, #tpu.memory_space<vmem>>, vector<16xf32>,
        tpu.vector_store %arg8[%parallel_loop3A_128], %parallel_loop3A_125 {strides = array<i32>} : memref<4096xf32, #tpu.memory_space<vmem>>, vector<16xf32>,
      } {sc.loop_unroll_factor = 16 : i64, sc.parallel_access}
      %dma_start3A_112 = arith.constant 12288 : i32
      %dma_start3A_113 = tpu.memref_slice %arg4[%add3A_22, %dma_start3A_112] : memref<845x16384xf32, #tpu.memory_space<hbm>> -> memref<1x4096xf32, #tpu.memory_space<hbm>>
      %dma_start3A_114 = tpu.memref_squeeze %dma_start3A_113 : memref<1x4096xf32, #tpu.memory_space<hbm>> -> memref<4096xf32, #tpu.memory_space<hbm>>
      %dma_start3A_115 = arith.constant 12288 : i32
      %dma_start3A_116 = tpu.memref_slice %arg4[%add3A_22, %dma_start3A_115] : memref<845x16384xf32, #tpu.memory_space<hbm>> -> memref<1x4096xf32, #tpu.memory_space<hbm>>
      %dma_start3A_117 = tpu.memref_squeeze %dma_start3A_116 : memref<1x4096xf32, #tpu.memory_space<hbm>> -> memref<4096xf32, #tpu.memory_space<hbm>>
      tpu.enqueue_dma source(%arg8 : memref<4096xf32, #tpu.memory_space<vmem>>) target(%dma_start3A_117 : memref<4096xf32, #tpu.memory_space<hbm>>) target_semaphore(%arg9 : memref<!tpu.dma_semaphore, #tpu.memory_space<semaphore_mem>>)
    }
    %scan3A_5 = arith.constant 26 : i32
    %dma_wait3A = arith.constant 0 : i32
    %dma_wait3A_6 = arith.constant 0 : i32
    %dma_wait3A_7 = tpu.memref_slice %arg4[%dma_wait3A, %dma_wait3A_6] : memref<845x16384xf32, #tpu.memory_space<hbm>> -> memref<1x4096xf32, #tpu.memory_space<hbm>>
    %dma_wait3A_8 = tpu.memref_squeeze %dma_wait3A_7 : memref<1x4096xf32, #tpu.memory_space<hbm>> -> memref<4096xf32, #tpu.memory_space<hbm>>
    %dma_wait3A_9 = arith.constant 0 : i32
    %dma_wait3A_10 = tpu.memref_slice %arg4[%dma_wait3A, %dma_wait3A_9] : memref<845x16384xf32, #tpu.memory_space<hbm>> -> memref<1x4096xf32, #tpu.memory_space<hbm>>
    %dma_wait3A_11 = tpu.memref_squeeze %dma_wait3A_10 : memref<1x4096xf32, #tpu.memory_space<hbm>> -> memref<4096xf32, #tpu.memory_space<hbm>>
    tpu.wait_dma2 semaphore(%arg9 : memref<!tpu.dma_semaphore, #tpu.memory_space<semaphore_mem>>) src(%dma_wait3A_11 : memref<4096xf32, #tpu.memory_space<hbm>>) dst(%arg7 : memref<4096xf32, #tpu.memory_space<vmem>>)
    %dma_wait3A_12 = arith.constant 0 : i32
    %dma_wait3A_13 = arith.constant 0 : i32
    %dma_wait3A_14 = tpu.memref_slice %arg4[%dma_wait3A_12, %dma_wait3A_13] : memref<845x16384xf32, #tpu.memory_space<hbm>> -> memref<1x4096xf32, #tpu.memory_space<hbm>>
    %dma_wait3A_15 = tpu.memref_squeeze %dma_wait3A_14 : memref<1x4096xf32, #tpu.memory_space<hbm>> -> memref<4096xf32, #tpu.memory_space<hbm>>
    %dma_wait3A_16 = arith.constant 0 : i32
    %dma_wait3A_17 = tpu.memref_slice %arg4[%dma_wait3A_12, %dma_wait3A_16] : memref<845x16384xf32, #tpu.memory_space<hbm>> -> memref<1x4096xf32, #tpu.memory_space<hbm>>
    %dma_wait3A_18 = tpu.memref_squeeze %dma_wait3A_17 : memref<1x4096xf32, #tpu.memory_space<hbm>> -> memref<4096xf32, #tpu.memory_space<hbm>>
    tpu.wait_dma2 semaphore(%arg9 : memref<!tpu.dma_semaphore, #tpu.memory_space<semaphore_mem>>) src(%dma_wait3A_18 : memref<4096xf32, #tpu.memory_space<hbm>>) dst(%arg7 : memref<4096xf32, #tpu.memory_space<vmem>>)
    return
  }
}

module attributes {stable_mosaic.version = 14 : i64} {
  func.func @_ln_body(%arg0: i32, %arg1: memref<16x2048xf32, #tpu.memory_space<vmem>>, %arg2: memref<2048x39xf32, #tpu.memory_space<vmem>>, %arg3: memref<1x13xf32, #tpu.memory_space<vmem>>, %arg4: memref<1x13xf32, #tpu.memory_space<vmem>>, %arg5: memref<16x2048xf32, #tpu.memory_space<vmem>>) attributes {dimension_semantics = [#tpu.dimension_semantics<arbitrary>], iteration_bounds = array<i64: 8>, scalar_prefetch = 0 : i64, scratch_operands = 0 : i64, tpu.core_type = #tpu.core_type<tc>, window_params = [{transform_indices = @transform_0, window_bounds = array<i64: 16, 2048>}, {transform_indices = @transform_1, window_bounds = array<i64: 2048, 39>}, {pipeline_mode = #tpu.pipeline_mode<synchronous>, transform_indices = @transform_2, window_bounds = array<i64: 1, 13>}, {pipeline_mode = #tpu.pipeline_mode<synchronous>, transform_indices = @transform_3, window_bounds = array<i64: 1, 13>}, {transform_indices = @transform_4, window_bounds = array<i64: 16, 2048>}]} {
    %get3A = arith.constant 0 : index
    %get3A_0 = arith.constant 0 : index
    %get3A_1 = vector.load %arg2[%get3A, %get3A_0] : memref<2048x39xf32, #tpu.memory_space<vmem>>, vector<2048x39xf32>
    %slice3A = vector.extract_strided_slice %get3A_1 {offsets = [0, 26], sizes = [2048, 13], strides = [1, 1]} : vector<2048x39xf32> to vector<2048x13xf32>
    %reduce_sum3A = arith.constant dense<0.000000e+00> : vector<2048xf32>
    %reduce_sum3A_2 = vector.multi_reduction <add>, %slice3A, %reduce_sum3A [1] : vector<2048x13xf32> to vector<2048xf32>
    %broadcast_in_dim3A = vector.shape_cast %reduce_sum3A_2 : vector<2048xf32> to vector<2048x1xf32>
    %div3A = arith.constant 1.300000e+01 : f32
    %div3A_3 = vector.broadcast %div3A : f32 to vector<2048x1xf32>
    %div3A_4 = arith.divf %broadcast_in_dim3A, %div3A_3 : vector<2048x1xf32>
    %sub3A = vector.broadcast %div3A_4 : vector<2048x1xf32> to vector<2048x13xf32>
    %sub3A_5 = arith.subf %slice3A, %sub3A : vector<2048x13xf32>
    %sub3A_6 = vector.broadcast %div3A_4 : vector<2048x1xf32> to vector<2048x13xf32>
    %sub3A_7 = arith.subf %slice3A, %sub3A_6 : vector<2048x13xf32>
    %mul3A = arith.mulf %sub3A_5, %sub3A_7 : vector<2048x13xf32>
    %reduce_sum3A_8 = arith.constant dense<0.000000e+00> : vector<2048xf32>
    %reduce_sum3A_9 = vector.multi_reduction <add>, %mul3A, %reduce_sum3A_8 [1] : vector<2048x13xf32> to vector<2048xf32>
    %broadcast_in_dim3A_10 = vector.shape_cast %reduce_sum3A_9 : vector<2048xf32> to vector<2048x1xf32>
    %div3A_11 = arith.constant 1.300000e+01 : f32
    %div3A_12 = vector.broadcast %div3A_11 : f32 to vector<2048x1xf32>
    %div3A_13 = arith.divf %broadcast_in_dim3A_10, %div3A_12 : vector<2048x1xf32>
    %sub3A_14 = vector.broadcast %div3A_4 : vector<2048x1xf32> to vector<2048x13xf32>
    %sub3A_15 = arith.subf %slice3A, %sub3A_14 : vector<2048x13xf32>
    %add3A = arith.constant 9.99999974E-6 : f32
    %add3A_16 = vector.broadcast %add3A : f32 to vector<2048x1xf32>
    %add3A_17 = arith.addf %div3A_13, %add3A_16 : vector<2048x1xf32>
    %rsqrt3A = math.rsqrt %add3A_17 : vector<2048x1xf32>
    %mul3A_18 = vector.broadcast %rsqrt3A : vector<2048x1xf32> to vector<2048x13xf32>
    %mul3A_19 = arith.mulf %sub3A_15, %mul3A_18 : vector<2048x13xf32>
    %get3A_20 = arith.constant 0 : index
    %get3A_21 = arith.constant 0 : index
    %get3A_22 = vector.load %arg3[%get3A_20, %get3A_21] : memref<1x13xf32, #tpu.memory_space<vmem>>, vector<1x13xf32>
    %mul3A_23 = vector.broadcast %get3A_22 : vector<1x13xf32> to vector<2048x13xf32>
    %mul3A_24 = arith.mulf %mul3A_19, %mul3A_23 : vector<2048x13xf32>
    %get3A_25 = arith.constant 0 : index
    %get3A_26 = arith.constant 0 : index
    %get3A_27 = vector.load %arg4[%get3A_25, %get3A_26] : memref<1x13xf32, #tpu.memory_space<vmem>>, vector<1x13xf32>
    %add3A_28 = vector.broadcast %get3A_27 : vector<1x13xf32> to vector<2048x13xf32>
    %add3A_29 = arith.addf %mul3A_24, %add3A_28 : vector<2048x13xf32>
    %broadcast_in_dim3A_30 = arith.constant 0.000000e+00 : f32
    %broadcast_in_dim3A_31 = vector.broadcast %broadcast_in_dim3A_30 : f32 to vector<3x2048xf32>
    %transpose3A = tpu.transpose %add3A_29, [1, 0] : vector<2048x13xf32> -> vector<13x2048xf32>
    %concatenate3A = tpu.concatenate %transpose3A, %broadcast_in_dim3A_31 in 0 : vector<13x2048xf32>, vector<3x2048xf32> -> vector<16x2048xf32>
    %swap3A = arith.constant 0 : index
    %swap3A_32 = arith.constant 0 : index
    %swap3A_33 = vector.load %arg5[%swap3A, %swap3A_32] : memref<16x2048xf32, #tpu.memory_space<vmem>>, vector<16x2048xf32>
    tpu.vector_store %arg5[%swap3A, %swap3A_32], %concatenate3A {strides = array<i32>} : memref<16x2048xf32, #tpu.memory_space<vmem>>, vector<16x2048xf32>,
    return
  }
  func.func @transform_0(%arg0: i32) -> (i32, i32) {
    %c52_i32 = arith.constant 52 : i32
    %c0_i32 = arith.constant 0 : i32
    return %c52_i32, %arg0 : i32, i32
  }
  func.func @transform_1(%arg0: i32) -> (i32, i32) {
    %c0_i32 = arith.constant 0 : i32
    %c0_i32_0 = arith.constant 0 : i32
    return %arg0, %c0_i32 : i32, i32
  }
  func.func @transform_2(%arg0: i32) -> (i32, i32) {
    %c0_i32 = arith.constant 0 : i32
    %c0_i32_0 = arith.constant 0 : i32
    %c0_i32_1 = arith.constant 0 : i32
    return %c0_i32, %c0_i32_0 : i32, i32
  }
  func.func @transform_3(%arg0: i32) -> (i32, i32) {
    %c0_i32 = arith.constant 0 : i32
    %c0_i32_0 = arith.constant 0 : i32
    %c0_i32_1 = arith.constant 0 : i32
    return %c0_i32, %c0_i32_0 : i32, i32
  }
  func.func @transform_4(%arg0: i32) -> (i32, i32) {
    %c52_i32 = arith.constant 52 : i32
    %c0_i32 = arith.constant 0 : i32
    return %c52_i32, %arg0 : i32, i32
  }
}

</mosaic_0001>

<sc_bundles>
// kernel: kernel.4.cloned.1.call-start
scs
__scs_entry_jumppad:
0x0: {  	(pc) =	sbr.rel $0x88, $3  }
0x1: {  	(tag) =	ssettag $0x0;
	lr =	simm.s32 $0x1  }
0x2: {  	[smem:$0x3F9D] =	sst lr;
	_ =	strace $0xD0000000  }
0x3: {  	_ = 	snop  }
0x4: {  	_ = 	snop  }
0x5: {  	_ = 	snop  }
0x6: {  	_ = 	snop  }
0x7: {  	_ = 	snop  }
__scs_overlays_trampoline_lowered:
0x8: {  	[smem:$0x3FAC] =	sst s0  }
0x9: {  	[smem:$0x3FAD] =	sst s1  }
0xa: {  	[smem:$0x3FAE] =	sst s2  }
0xb: {  	[smem:$0x3FAF] =	sst s3  }
0xc: {  	[smem:$0x3FB0] =	sst s4  }
0xd: {  	[smem:$0x3FB1] =	sst s5  }
0xe: {  	[smem:$0x3FB2] =	sst s6  }
0xf: {  	[smem:$0x3FB3] =	sst s7  }
0x10: {  	[smem:$0x3FB4] =	sst s8  }
0x11: {  	[smem:$0x3FB5] =	sst s9;
	s0 =	simm.s32 @!p0 $0x0  }
0x12: {  	s1 =	sld [smem:$0x3F9B];
	s0 =	simm.s32 @p0 $0x1  }
0x13: {  	[smem:$0x3FB6] =	sst s0;
	s0 =	simm.s32 @!p1 $0x0  }
0x14: {  	s2 =	sld [smem:$0x3F9A];
	s0 =	simm.s32 @p1 $0x1  }
0x15: {  	[smem:$0x3FB7] =	sst s0;
	s0 =	simm.s32 @!p2 $0x0  }
0x16: {  	s3 =	sld [smem:$0x3FDB];
	s0 =	simm.s32 @p2 $0x1  }
0x17: {  	s4 =	simm.s32 $0x1BF5;
	[smem:$0x3FB9] =	sst s0  }
0x18: {  	s0 =	sld [smem:$0x3F9C];
	_ =	swait.ge [sflag:s4], $0x0  }
0x19: {  	s7 =	sld [smem:$0x3F9D]  }
0x1a: {  	s8 =	sadd.s32 $0xFFFFE003, lr  }
0x1b: {  	s9 =	sadd.s32 $0xFFFFFEF7, lr;
	s5 =	simm.s32 $0xFFFFFFFF;
	p2 =	slt.u32 s8, $0xFFFFF086  }
0x1c: {  	p1 =	slt.u32 s9, $0xF7A;
	s5 =	simm.s32 @!p2 $0x0  }
0x1d: {  	s5 =	simm.s32 @p1 $0x1;
	p0 =	seq.s32 s7, s2  }
0x1e: {  	s7 =	smul.u32 @!p0 $0xF7A, s2;
	p2 =	seq.s32 @!p0 s5, $0x0  }
0x1f: {  	s9 =	smul.u32 $0xF7A, s1;
	s8 =	simm.s32 @!p0 $0x1BF5;
	p2 =	por !p2, p0  }
0x20: {  	[sflag:s8] =	ssyncset.s32 @!p0 $0xFFFFF086;
	s6 =	sadd.s32 @!p0 s3, s7;
	s7 =	simm.s32 @!p0 $0x108  }
0x21: {  	s3 =	sadd.s32 s3, s9;
	s6 =	sadd.s32 @!p0 $0x88, s6;
	s7 =	simm.s32 @p2 $0x1082  }
0x22: {  	[simem:s7], [sflag:s8] =	dma.local @!p0 [hbm:s6], $0xF7A  }
0x23: {  	s9 =	sor.u32 $0xD0000000, s2;
	s6 =	simm.s32 $0x108;
	_ =	swait.ge @!p0 [sflag:s8], $0x0  }
0x24: {  	s3 =	sadd.s32 $0x88, s3;
	s6 =	simm.s32 @!p1 $0x1082;
	[sflag:s4] =	ssyncset.s32 $0xFFFFF086  }
0x25: {  	[simem:s6], [sflag:s4] =	dma.local [hbm:s3], $0xF7A  }
0x26: {  	[smem:$0x3F9D] =	sst s1;
	(tag) =	ssettag s2;
	_ =	strace s9  }
0x27: {  	s1 =	sld [smem:$0x3FAD]  }
0x28: {  	s2 =	sld [smem:$0x3FAE]  }
0x29: {  	s4 =	sld [smem:$0x3FB0]  }
0x2a: {  	p0 =	seq.s32 s5, $0x0;
	s5 =	sld [smem:$0x3FB1]  }
0x2b: {  	s6 =	sld [smem:$0x3FB2]  }
0x2c: {  	s7 =	sld [smem:$0x3FB3]  }
0x2d: {  	s3 =	simm.s32 $0x108;
	s8 =	sld [smem:$0x3FB4]  }
0x2e: {  	s3 =	simm.s32 @!p0 $0x1082;
	s9 =	sld [smem:$0x3FB5]  }
0x2f: {  	lr =	sadd.s32 s0, s3;
	s0 =	sld [smem:$0x3FAC]  }
0x30: {  	s3 =	sld [smem:$0x3FAF]  }
0x31: {  	[smem:$0x3FB8] =	sst s10  }
0x32: {  	s10 =	sld [smem:$0x3FB6];
	_ =	sdelay $0x3  }
0x33: {  	p0 =	seq.s32 s10, $0x1;
	s10 =	sld [smem:$0x3FB8];
	_ =	sdelay $0x3  }
0x34: {  	[smem:$0x3FB8] =	sst s10  }
0x35: {  	s10 =	sld [smem:$0x3FB7];
	_ =	sdelay $0x3  }
0x36: {  	p1 =	seq.s32 s10, $0x1;
	s10 =	sld [smem:$0x3FB8];
	_ =	sdelay $0x3  }
0x37: {  	[smem:$0x3FB8] =	sst s10  }
0x38: {  	s10 =	sld [smem:$0x3FB9]  }
0x39: {  	_ = 	snop;
	(pc) =	sbr.ind lr, $3  }
0x3a: {  	_ = 	snop  }
0x3b: {  	_ = 	snop  }
0x3c: {  	p2 =	seq.s32 s10, $0x1;
	s10 =	sld [smem:$0x3FB8]  }
0x3d: {  	_ =	shalt  }
0x3e: {  	_ =	shalt  }
0x3f: {  	_ =	shalt  }
0x40: {  	_ =	shalt  }
0x41: {  	_ =	shalt  }
0x42: {  	_ =	shalt  }
0x43: {  	_ =	shalt  }
0x44: {  	_ =	shalt  }
0x45: {  	_ =	shalt  }
0x46: {  	_ =	shalt  }
0x47: {  	_ =	shalt  }
0x48: {  	_ =	shalt  }
0x49: {  	_ =	shalt  }
0x4a: {  	_ =	shalt  }
0x4b: {  	_ =	shalt  }
0x4c: {  	_ =	shalt  }
0x4d: {  	_ =	shalt  }
0x4e: {  	_ =	shalt  }
0x4f: {  	_ =	shalt  }
0x50: {  	_ =	shalt  }
0x51: {  	_ =	shalt  }
0x52: {  	_ =	shalt  }
0x53: {  	_ =	shalt  }
0x54: {  	_ =	shalt  }
0x55: {  	_ =	shalt  }
0x56: {  	_ =	shalt  }
0x57: {  	_ =	shalt  }
0x58: {  	_ =	shalt  }
0x59: {  	_ =	shalt  }
0x5a: {  	_ =	shalt  }
0x5b: {  	_ =	shalt  }
0x5c: {  	_ =	shalt  }
0x5d: {  	_ =	shalt  }
0x5e: {  	_ =	shalt  }
0x5f: {  	_ =	shalt  }
0x60: {  	_ =	shalt  }
0x61: {  	_ =	shalt  }
0x62: {  	_ =	shalt  }
0x63: {  	_ =	shalt  }
0x64: {  	_ =	shalt  }
0x65: {  	_ =	shalt  }
0x66: {  	_ =	shalt  }
0x67: {  	_ =	shalt  }
0x68: {  	_ =	shalt  }
0x69: {  	_ =	shalt  }
0x6a: {  	_ =	shalt  }
0x6b: {  	_ =	shalt  }
0x6c: {  	_ =	shalt  }
0x6d: {  	_ =	shalt  }
0x6e: {  	_ =	shalt  }
0x6f: {  	_ =	shalt  }
0x70: {  	_ =	shalt  }
0x71: {  	_ =	shalt  }
0x72: {  	_ =	shalt  }
0x73: {  	_ =	shalt  }
0x74: {  	_ =	shalt  }
0x75: {  	_ =	shalt  }
0x76: {  	_ =	shalt  }
0x77: {  	_ =	shalt  }
0x78: {  	_ =	shalt  }
0x79: {  	_ =	shalt  }
0x7a: {  	_ =	shalt  }
0x7b: {  	_ =	shalt  }
0x7c: {  	_ =	shalt  }
0x7d: {  	_ =	shalt  }
0x7e: {  	_ =	shalt  }
0x7f: {  	_ =	shalt  }
0x80: {  	_ =	shalt  }
0x81: {  	_ =	shalt  }
0x82: {  	_ =	shalt  }
0x83: {  	_ =	shalt  }
0x84: {  	_ =	shalt  }
0x85: {  	_ =	shalt  }
0x86: {  	_ =	shalt  }
0x87: {  	_ =	shalt  }
.Lfunc_end0:
.L_simem_size_0:
called_computation_lowered:
.L_overlay_start_0:
0x88: {  	s2 =	sld [smem:$0x3FD9]  }
0x89: {  	s3 =	sld [smem:$0x3FFE];
	_ =	sdelay $0x1  }
0x8a: {  	s1 =	srdreg.scid  }
0x8b: {  	s0 =	sand.u32 $0x1, s1  }
0x8c: {  	s17 =	sshll.u32 s0, $0xA;
	s2 =	sadd.s32 s3, s2  }
0x8d: {  	s2 =	sadd.s32 s2, s17  }
0x8e: {  	[smem:$0x3FC4] =	sst s2  }
0x8f: {  	_ = 	snop  }
0x90: {  	s2 =	sld [smem:$0x3FC8]  }
0x91: {  	s18 =	sld [smem:$0x3FD0];
	(tm) =	ssettm $0x1  }
0x92: {  	s4 =	sld [smem:$0x3FFB];
	_ =	sdelay $0x3  }
0x93: {  	_ =	strace s4  }
0x94: {  	s4 =	sld [smem:$0x3FFC];
	_ =	sdelay $0x3  }
0x95: {  	_ =	strace s4  }
0x96: {  	s4 =	sld [smem:$0x3FFD];
	_ =	sdelay $0x3  }
0x97: {  	_ =	strace s4  }
0x98: {  	_ =	strace $0x8FFFFFFF  }
0x99: {  	s19 =	sld [smem:$0x3FDB];
	_ =	sdelay $0x1  }
0x9a: {  	s5 =	simm.s32 $_scs_section_size  }
0x9b: {  	s6 =	simm.s32 $_size__tile_overlayer_lowered;
	s7 =	simm.s32 $_tile_overlayer_lowered  }
0x9c: {  	s22 =	simm.s32 $0x1BFF;
	s21 =	sshll.u32 s7, $0x1;
	s4 =	sadd.s32 s5, s19  }
0x9d: {  	s8 =	simm.s32 $0x0;
	s20 =	sshll.u32 s6, $0x1;
	s6 =	sadd.s32 s21, s4  }
0x9e: {  	[timem:s8], [sflag:s22] =	dma.local [hbm:s6], s20  }
0x9f: {  	_ =	swait.ge [sflag:s22], s20  }
0xa0: {  	s5 =	ssub.s32 $0x0, s20;
	[sflag:s22] =	ssyncset.done $0x0  }
0xa1: {  	[sflag:s22] =	ssyncadd.s32 s5;
	_ =	sdelay $0x1  }
0xa2: {  	s23 =	simm.s32 $0x1B8B  }
0xa3: {  	_ =	swait.ge [sflag:s23], $0x1  }
0xa4: {  	[sflag:s23] =	ssyncset.done $0x0  }
0xa5: {  	s25 =	simm.s32 $0x1B8E;
	s24 =	sld [smem:$0x3FFE];
	[sflag:s23] =	ssyncadd.s32 $0xFFFFFFFF  }
0xa6: {  	s26 =	simm.s32 $execute0_lowered;
	[smem:$0x3FD2] =	sst s25  }
0xa7: {  	s6 =	sshll.u32 s26, $0x1;
	_ =	strace $0x80000046;
	[dreg:$0x1] =	wrdreg $0xFFFFFFFF  }
0xa8: {  	s28 =	simm.s32 $_size_execute0_lowered;
	s4 =	sadd.s32 s4, s6;
	[dreg:$0x0] =	wrdreg $0x0  }
0xa9: {  	s6 =	sshll.u32 s28, $0x1;
	[dreg:$0x2] =	wrdreg s4  }
0xaa: {  	[dreg:$0x3] =	wrdreg s6  }
0xab: {  	[dreg:$0x4] =	wrdreg $0xC0  }
0xac: {  	_ =	task [dreg:s8], $0x5FFFF  }
0xad: {  	[dreg:$0x1] =	wrdreg $0xFFFFFFFF  }
0xae: {  	[dreg:$0x0] =	wrdreg $0x60  }
0xaf: {  	[dreg:$0x2] =	wrdreg s2  }
0xb0: {  	[dreg:$0x3] =	wrdreg s24  }
0xb1: {  	[dreg:$0x4] =	wrdreg s18  }
0xb2: {  	[dreg:$0x5] =	wrdreg $0x9  }
0xb3: {  	_ =	task.clear_ibuf [dreg:s8], $0x6FFFF;
	_ =	strace $0x90000046  }
0xb4: {  	s29 =	simm.s32 $0x9;
	_ =	strace $0x80000048  }
0xb5: {  	_ =	swait.ge [sflag:s29], $0x1  }
0xb6: {  	[sflag:s29] =	ssyncadd.s32 $0xFFFFFFFF  }
0xb7: {  	_ =	strace $0x90000048  }
0xb8: {  	_ =	sfence  }
0xb9: {  	s30 =	sld [smem:$0x0];
	_ =	sdelay $0x2  }
0xba: {  	s31 =	sshll.u32 s1, $0xD;
	s1 =	sshrl.u32 s1, $0x2  }
0xbb: {  	s3 =	sand.u32 $0x4000, s31;
	s1 =	sadd.s32 s1, s30  }
0xbc: {  	s0 =	sor.u32 s3, s0;
	s1 =	sshll.u32 s1, $0x11  }
0xbd: {  	s0 =	sor.u32 s1, s0  }
0xbe: {  	s0 =	sadd.s32 $0x8F2B, s0  }
0xbf: {  	[sflag:s0] =	ssyncadd.remote.s32 $0x1  }
0xc0: {  	_ =	sfence.sel $0xFFFF  }
0xc1: {  	[dreg:$0x0] =	wrdreg $0xFFFFFFFF;
	(pc) =	sbr.abs _section_cstart, $3  }
0xc2: {  	[dreg:$0x1] =	wrdreg $0xFFFFFFFF  }
0xc3: {  	_ =	task.clear_ibuf [dreg:s8], $0x2FFFF;
	_ =	strace $0x9FFFFFFF  }
0xc4: {  	(tm) =	ssettm $0x7FFFFFFF  }
0xc5: {  	_ =	shalt  }
tec
execute0_lowered:
.L_overlay_start_1:
0x0: {  	(tag) =	ssettag $0x1  }
0x1: {  	s1 =	rddreg [dreg:$0x0]  }
0x2: {  	s5 =	rddreg [dreg:$0x1]  }
0x3: {  	s2 =	rddreg [dreg:$0x2];
	s3 =	srdreg.scid  }
0x4: {  	s0 =	rddreg [dreg:$0x3];
	s4 =	simm.s32 $0x0;
	s11 =	simm.s32 $0x80  }
0x5: {  	s12 =	simm.s32 $0x400;
	s13 =	simm.s32 $0x2;
	s14 =	simm.s32 $0x1C700  }
0x6: {  	s15 =	simm.s32 $0x1D700;
	s16 =	simm.s32 $0x1;
	s17 =	simm.s32 $0x0  }
0x7: {  	s6 =	sand.u32 $0x1, s3;
	[smem:$0x7FF] =	sst s4;
	s3 =	stileid.u32  }
0x8: {  	s5 =	sadd.s32 $0xA00, s5;
	s7 =	ssub.s32 $0x2, s6;
	s9 =	sshll.u32 s3, $0x1  }
0x9: {  	_ =	strace $0x80000047;
	s8 =	sshrl.u32 s7, $0x1;
	s6 =	sor.u32 s6, s9  }
0xa: {  	s9 =	sadd.s32 $0x3000, s2;
	s10 =	ssub.s32 s7, s8;
	s6 =	smul.u32 $0x1A, s6  }
0xb: {  	s7 =	sadd.s32 $0x1000, s2;
	s8 =	sadd.s32 $0x2000, s2;
	s10 =	smax.u32 s10, $0x1  }
.LBB2_1:
0xc: {  	s18 =	simm.s32 $0x0  }
.LBB2_2:
0xd: {  	s19 =	sadd.s32 s6, s18  }
0xe: {  	s21 =	sshrl.u32 s19, $0x5;
	s20 =	sshrl.u32 s19, $0x3  }
0xf: {  	s22 =	smul.u32 $0x30E000, s21;
	s20 =	sand.u32 $0x3, s20  }
0x10: {  	s20 =	smul.u32 $0xC3800, s20  }
0x11: {  	s23 =	sshll.u32 s19, $0x7  }
0x12: {  	s22 =	sadd.s32 s22, s20;
	s20 =	sand.u32 $0x380, s23  }
0x13: {  	s22 =	sor.u32 s20, s22  }
0x14: {  	s22 =	sshrl.u32 s22, $0x3  }
0x15: {  	s22 =	sadd.s32 s1, s22  }
0x16: {  	[tilespmem:s4], [sflag:$0x2] =	stream.strided.gather [hbm4b:s22+s11], $0x18700, s12, s11, $0x38;
	[tilespmem:$0x1E700] =	vst v63  }
0x17: {  	p0 =	seq.s32 s18, $0x0;
	s22 =	sand.u32 $0x1F, s19  }
0x18: {  	p1 =	sne.s32 @!p0 s22, $0x0  }
0x19: {  	_ =	swait.ge [sflag:s13], $0x18700;
	p1 =	por p0, !p1  }
0x1a: {  	[sflag:s13] =	ssyncset.done $0x0;
	s22 =	sshll.u32 @p1 s21, $0x4  }
0x1b: {  	s21 =	sshll.u32 @p1 s21, $0xB;
	[sflag:s13] =	ssyncadd.s32 $0xFFFE7900;
	s22 =	sand.u32 @p1 $0x70, s22  }
0x1c: {  	s23 =	simm.s32 @p1 $0x400;
	s21 =	sand.u32 @p1 $0xFFFC000, s21;
	s22 =	sadd.s32 @p1 s5, s22  }
0x1d: {  	s24 =	simm.s32 @p1 $0x18700;
	s21 =	sadd.s32 @p1 s21, s22;
	s22 =	simm.s32 @p1 $0x80  }
0x1e: {  	[tilespmem:s24], [sflag:$0x2] =	stream.strided.gather @p1 [hbm4b:s21+s22], $0x4000, s23, s22, $0x38;
	[tilespmem:$0x1E700] =	vst v63  }
0x1f: {  	s21 =	simm.s32 @p1 $0x2  }
0x20: {  	_ =	swait.ge @p1 [sflag:s21], $0x4000  }
0x21: {  	p2 =	seq.s32 @p1 s18, $0x0;
	[sflag:s21] =	ssyncset.done @p1 $0x0  }
0x22: {  	p2 =	por !p1, !p2;
	[sflag:s21] =	ssyncadd.s32 @p1 $0xFFFFC000  }
0x23: {  	_ =	swait.ge @p2 [sflag:s16], $0x1000  }
0x24: {  	[sflag:s16] =	ssyncset.done @p2 $0x0  }
0x25: {  	s31 =	simm.s32 $0x18780;
	[sflag:s16] =	ssyncadd.s32 @p2 $0xFFFFF000  }
0x26: {  	v0 =	vld [tilespmem:s31+$0x70]  }
0x27: {  	v1 =	vld [tilespmem:s31+$0xFFFFFF90]  }
0x28: {  	v2 =	vld [tilespmem:s31+$0xFFFFFFA0]  }
0x29: {  	v3 =	vld [tilespmem:s31+$0xFFFFFFB0]  }
0x2a: {  	v4 =	vld [tilespmem:s31+$0xFFFFFFC0]  }
0x2b: {  	v5 =	vld [tilespmem:s31+$0xFFFFFFD0]  }
0x2c: {  	v6 =	vld [tilespmem:s31+$0xFFFFFFE0]  }
0x2d: {  	v7 =	vld [tilespmem:s31+$0xFFFFFFF0]  }
0x2e: {  	v8 =	vld [tilespmem:s31+$0x0]  }
0x2f: {  	v9 =	vld [tilespmem:s31+$0x10]  }
0x30: {  	v10 =	vld [tilespmem:s31+$0x20]  }
0x31: {  	v11 =	vld [tilespmem:s31+$0x30]  }
0x32: {  	v12 =	vld [tilespmem:s31+$0x40]  }
0x33: {  	v13 =	vld [tilespmem:s31+$0x50]  }
0x34: {  	v14 =	vld [tilespmem:s31+$0x60]  }
0x35: {  	v15 =	vld [tilespmem:s31+$0xFFFFFF80]  }
0x36: {  	v0 =	vld.idx.msk [tilespmem:v0+s4+$0x0], $0xffff  }
0x37: {  	v1 =	vld.idx.msk [tilespmem:v1+s4+$0x0], $0xffff  }
0x38: {  	v2 =	vld.idx.msk [tilespmem:v2+s4+$0x0], $0xffff  }
0x39: {  	v3 =	vld.idx.msk [tilespmem:v3+s4+$0x0], $0xffff  }
0x3a: {  	v4 =	vld.idx.msk [tilespmem:v4+s4+$0x0], $0xffff  }
0x3b: {  	s21 =	simm.s32 $0x1C780;
	v5 =	vld.idx.msk [tilespmem:v5+s4+$0x0], $0xffff  }
0x3c: {  	v6 =	vld.idx.msk [tilespmem:v6+s4+$0x0], $0xffff;
	[tilespmem:s21+$0x70] =	vst v0  }
0x3d: {  	v7 =	vld.idx.msk [tilespmem:v7+s4+$0x0], $0xffff;
	[tilespmem:s21+$0xFFFFFF90] =	vst v1  }
0x3e: {  	v15 =	vld.idx.msk [tilespmem:v15+s4+$0x0], $0xffff;
	[tilespmem:s21+$0xFFFFFFA0] =	vst v2  }
0x3f: {  	v8 =	vld.idx.msk [tilespmem:v8+s4+$0x0], $0xffff;
	[tilespmem:s21+$0xFFFFFFB0] =	vst v3  }
0x40: {  	[tilespmem:s21+$0xFFFFFFC0] =	vst v4;
	v0 =	vld.idx.msk [tilespmem:v9+s4+$0x0], $0xffff  }
0x41: {  	[tilespmem:s21+$0xFFFFFFD0] =	vst v5;
	v1 =	vld.idx.msk [tilespmem:v10+s4+$0x0], $0xffff  }
0x42: {  	[tilespmem:s21+$0xFFFFFFE0] =	vst v6;
	v2 =	vld.idx.msk [tilespmem:v11+s4+$0x0], $0xffff  }
0x43: {  	[tilespmem:s21+$0xFFFFFFF0] =	vst v7;
	v3 =	vld.idx.msk [tilespmem:v12+s4+$0x0], $0xffff  }
0x44: {  	[tilespmem:s21+$0xFFFFFF80] =	vst v15;
	v4 =	vld.idx.msk [tilespmem:v13+s4+$0x0], $0xffff  }
0x45: {  	s22 =	simm.s32 $0x0;
	s23 =	simm.s32 $0x18880;
	[tilespmem:s21+$0x0] =	vst v8;
	v5 =	vld.idx.msk [tilespmem:v14+s4+$0x0], $0xffff  }
.LBB2_3:
0x46: {  	v6 =	vld [tilespmem:s23+$0x70];
	s22 =	sadd.s32 $0x10, s22;
	[tilespmem:s21+$0x10] =	vst v0  }
0x47: {  	v0 =	vld [tilespmem:s23+$0xFFFFFF90];
	p1 =	slt.u32 s22, $0xF0;
	[tilespmem:s21+$0x20] =	vst v1  }
0x48: {  	v1 =	vld [tilespmem:s23+$0xFFFFFFA0];
	[tilespmem:s21+$0x30] =	vst v2  }
0x49: {  	v2 =	vld [tilespmem:s23+$0xFFFFFFB0];
	[tilespmem:s21+$0x40] =	vst v3  }
0x4a: {  	v3 =	vld [tilespmem:s23+$0xFFFFFFC0];
	[tilespmem:s21+$0x50] =	vst v4  }
0x4b: {  	v4 =	vld [tilespmem:s23+$0xFFFFFFD0];
	[tilespmem:s21+$0x60] =	vst v5  }
0x4c: {  	v5 =	vld [tilespmem:s23+$0xFFFFFFE0]  }
0x4d: {  	v7 =	vld [tilespmem:s23+$0xFFFFFFF0]  }
0x4e: {  	v6 =	vld.idx.msk [tilespmem:v6+s4+$0x0], $0xffff  }
0x4f: {  	v8 =	vld [tilespmem:s23+$0x0]  }
0x50: {  	v9 =	vld [tilespmem:s23+$0x10]  }
0x51: {  	v10 =	vld [tilespmem:s23+$0x20]  }
0x52: {  	v11 =	vld [tilespmem:s23+$0x30]  }
0x53: {  	s21 =	sadd.s32 $0x100, s21;
	v12 =	vld [tilespmem:s23+$0x40]  }
0x54: {  	v13 =	vld [tilespmem:s23+$0x50];
	[tilespmem:s21+$0x70] =	vst v6  }
0x55: {  	v6 =	vld [tilespmem:s23+$0x60]  }
0x56: {  	v14 =	vld [tilespmem:s23+$0xFFFFFF80]  }
0x57: {  	v0 =	vld.idx.msk [tilespmem:v0+s4+$0x0], $0xffff  }
0x58: {  	v1 =	vld.idx.msk [tilespmem:v1+s4+$0x0], $0xffff  }
0x59: {  	v2 =	vld.idx.msk [tilespmem:v2+s4+$0x0], $0xffff  }
0x5a: {  	v3 =	vld.idx.msk [tilespmem:v3+s4+$0x0], $0xffff  }
0x5b: {  	v4 =	vld.idx.msk [tilespmem:v4+s4+$0x0], $0xffff  }
0x5c: {  	v5 =	vld.idx.msk [tilespmem:v5+s4+$0x0], $0xffff  }
0x5d: {  	[tilespmem:s21+$0xFFFFFF90] =	vst v0;
	v7 =	vld.idx.msk [tilespmem:v7+s4+$0x0], $0xffff  }
0x5e: {  	v14 =	vld.idx.msk [tilespmem:v14+s4+$0x0], $0xffff;
	[tilespmem:s21+$0xFFFFFFA0] =	vst v1  }
0x5f: {  	[tilespmem:s21+$0xFFFFFFB0] =	vst v2;
	v8 =	vld.idx.msk [tilespmem:v8+s4+$0x0], $0xffff  }
0x60: {  	[tilespmem:s21+$0xFFFFFFC0] =	vst v3;
	v0 =	vld.idx.msk [tilespmem:v9+s4+$0x0], $0xffff  }
.Ltmp0:
0x61: {  	[tilespmem:s21+$0xFFFFFFD0] =	vst v4;
	v1 =	vld.idx.msk [tilespmem:v10+s4+$0x0], $0xffff;
	(pc) =	sbr.rel @p1 .LBB2_3-.Ltmp0, $4  }
0x62: {  	[tilespmem:s21+$0xFFFFFFE0] =	vst v5;
	v2 =	vld.idx.msk [tilespmem:v11+s4+$0x0], $0xffff  }
0x63: {  	[tilespmem:s21+$0xFFFFFFF0] =	vst v7;
	v3 =	vld.idx.msk [tilespmem:v12+s4+$0x0], $0xffff  }
0x64: {  	[tilespmem:s21+$0xFFFFFF80] =	vst v14;
	v4 =	vld.idx.msk [tilespmem:v13+s4+$0x0], $0xffff  }
0x65: {  	s23 =	sadd.s32 $0x100, s23;
	[tilespmem:s21+$0x0] =	vst v8;
	v5 =	vld.idx.msk [tilespmem:v6+s4+$0x0], $0xffff  }
0x66: {  	[tilespmem:s21+$0x10] =	vst v0  }
0x67: {  	[tilespmem:s21+$0x20] =	vst v1;
	s19 =	sshll.u32 s19, $0xE  }
0x68: {  	[tilespmem:s21+$0x30] =	vst v2;
	s19 =	sand.u32 $0x7FFE0000, s19  }
0x69: {  	[tilespmem:s21+$0x40] =	vst v3;
	s19 =	sor.u32 s20, s19  }
0x6a: {  	[tilespmem:s21+$0x50] =	vst v4;
	s19 =	sshrl.u32 s19, $0x3  }
0x6b: {  	s20 =	simm.s32 @!p0 $0x1;
	[tilespmem:s21+$0x60] =	vst v5;
	s30 =	sadd.s32 s2, s19  }
0x6c: {  	[hbm4b:s30+s11] =	stream.strided.scatter [tilespmem:s14], [sflag:$0x1], $0x1000, s12, s11, $0x38;
	[tilespmem:$0x1E700] =	vst v63  }
0x6d: {  	_ =	swait.ge @!p0 [sflag:s20], $0x1000  }
0x6e: {  	[sflag:s20] =	ssyncset.done @!p0 $0x0  }
0x6f: {  	s31 =	simm.s32 $0x197F0;
	[sflag:s20] =	ssyncadd.s32 @!p0 $0xFFFFF000  }
0x70: {  	v0 =	vld [tilespmem:s31+$0x0]  }
0x71: {  	v1 =	vld [tilespmem:s31+$0xFFFFFF20]  }
0x72: {  	v2 =	vld [tilespmem:s31+$0xFFFFFF30]  }
0x73: {  	v3 =	vld [tilespmem:s31+$0xFFFFFF40]  }
0x74: {  	v4 =	vld [tilespmem:s31+$0xFFFFFF50]  }
0x75: {  	v5 =	vld [tilespmem:s31+$0xFFFFFF60]  }
0x76: {  	v6 =	vld [tilespmem:s31+$0xFFFFFF70]  }
0x77: {  	v7 =	vld [tilespmem:s31+$0xFFFFFF80]  }
0x78: {  	v8 =	vld [tilespmem:s31+$0xFFFFFF90]  }
0x79: {  	v9 =	vld [tilespmem:s31+$0xFFFFFFA0]  }
0x7a: {  	v10 =	vld [tilespmem:s31+$0xFFFFFFB0]  }
0x7b: {  	v11 =	vld [tilespmem:s31+$0xFFFFFFC0]  }
0x7c: {  	v12 =	vld [tilespmem:s31+$0xFFFFFFD0]  }
0x7d: {  	v13 =	vld [tilespmem:s31+$0xFFFFFFE0]  }
0x7e: {  	v14 =	vld [tilespmem:s31+$0xFFFFFFF0]  }
0x7f: {  	v15 =	vld [tilespmem:s31+$0xFFFFFF10]  }
0x80: {  	v0 =	vld.idx.msk [tilespmem:v0+s4+$0x0], $0xffff  }
0x81: {  	v1 =	vld.idx.msk [tilespmem:v1+s4+$0x0], $0xffff  }
0x82: {  	v2 =	vld.idx.msk [tilespmem:v2+s4+$0x0], $0xffff  }
0x83: {  	v3 =	vld.idx.msk [tilespmem:v3+s4+$0x0], $0xffff  }
0x84: {  	v4 =	vld.idx.msk [tilespmem:v4+s4+$0x0], $0xffff  }
0x85: {  	s20 =	simm.s32 $0x1D780;
	v5 =	vld.idx.msk [tilespmem:v5+s4+$0x0], $0xffff  }
0x86: {  	v6 =	vld.idx.msk [tilespmem:v6+s4+$0x0], $0xffff;
	[tilespmem:s20+$0x70] =	vst v0  }
0x87: {  	v7 =	vld.idx.msk [tilespmem:v7+s4+$0x0], $0xffff;
	[tilespmem:s20+$0xFFFFFF90] =	vst v1  }
0x88: {  	v15 =	vld.idx.msk [tilespmem:v15+s4+$0x0], $0xffff;
	[tilespmem:s20+$0xFFFFFFA0] =	vst v2  }
0x89: {  	v8 =	vld.idx.msk [tilespmem:v8+s4+$0x0], $0xffff;
	[tilespmem:s20+$0xFFFFFFB0] =	vst v3  }
0x8a: {  	[tilespmem:s20+$0xFFFFFFC0] =	vst v4;
	v0 =	vld.idx.msk [tilespmem:v9+s4+$0x0], $0xffff  }
0x8b: {  	[tilespmem:s20+$0xFFFFFFD0] =	vst v5;
	v1 =	vld.idx.msk [tilespmem:v10+s4+$0x0], $0xffff  }
0x8c: {  	[tilespmem:s20+$0xFFFFFFE0] =	vst v6;
	v2 =	vld.idx.msk [tilespmem:v11+s4+$0x0], $0xffff  }
0x8d: {  	[tilespmem:s20+$0xFFFFFFF0] =	vst v7;
	v3 =	vld.idx.msk [tilespmem:v12+s4+$0x0], $0xffff  }
0x8e: {  	[tilespmem:s20+$0xFFFFFF80] =	vst v15;
	v4 =	vld.idx.msk [tilespmem:v13+s4+$0x0], $0xffff  }
0x8f: {  	s22 =	simm.s32 $0x198F0;
	s21 =	simm.s32 $0x0;
	[tilespmem:s20+$0x0] =	vst v8;
	v5 =	vld.idx.msk [tilespmem:v14+s4+$0x0], $0xffff  }
.LBB2_5:
0x90: {  	v6 =	vld [tilespmem:s22+$0x0];
	s21 =	sadd.s32 $0x10, s21;
	[tilespmem:s20+$0x10] =	vst v0  }
0x91: {  	v0 =	vld [tilespmem:s22+$0xFFFFFF20];
	p0 =	slt.u32 s21, $0xF0;
	[tilespmem:s20+$0x20] =	vst v1  }
0x92: {  	v1 =	vld [tilespmem:s22+$0xFFFFFF30];
	[tilespmem:s20+$0x30] =	vst v2  }
0x93: {  	v2 =	vld [tilespmem:s22+$0xFFFFFF40];
	[tilespmem:s20+$0x40] =	vst v3  }
0x94: {  	v3 =	vld [tilespmem:s22+$0xFFFFFF50];
	[tilespmem:s20+$0x50] =	vst v4  }
0x95: {  	v4 =	vld [tilespmem:s22+$0xFFFFFF60];
	[tilespmem:s20+$0x60] =	vst v5  }
0x96: {  	v5 =	vld [tilespmem:s22+$0xFFFFFF70]  }
0x97: {  	v7 =	vld [tilespmem:s22+$0xFFFFFF80]  }
0x98: {  	v6 =	vld.idx.msk [tilespmem:v6+s4+$0x0], $0xffff  }
0x99: {  	v8 =	vld [tilespmem:s22+$0xFFFFFF90]  }
0x9a: {  	v9 =	vld [tilespmem:s22+$0xFFFFFFA0]  }
0x9b: {  	v10 =	vld [tilespmem:s22+$0xFFFFFFB0]  }
0x9c: {  	v11 =	vld [tilespmem:s22+$0xFFFFFFC0]  }
0x9d: {  	s20 =	sadd.s32 $0x100, s20;
	v12 =	vld [tilespmem:s22+$0xFFFFFFD0]  }
0x9e: {  	v13 =	vld [tilespmem:s22+$0xFFFFFFE0];
	[tilespmem:s20+$0x70] =	vst v6  }
0x9f: {  	v6 =	vld [tilespmem:s22+$0xFFFFFFF0]  }
0xa0: {  	v14 =	vld [tilespmem:s22+$0xFFFFFF10]  }
0xa1: {  	v0 =	vld.idx.msk [tilespmem:v0+s4+$0x0], $0xffff  }
0xa2: {  	v1 =	vld.idx.msk [tilespmem:v1+s4+$0x0], $0xffff  }
0xa3: {  	v2 =	vld.idx.msk [tilespmem:v2+s4+$0x0], $0xffff  }
0xa4: {  	v3 =	vld.idx.msk [tilespmem:v3+s4+$0x0], $0xffff  }
0xa5: {  	v4 =	vld.idx.msk [tilespmem:v4+s4+$0x0], $0xffff  }
0xa6: {  	v5 =	vld.idx.msk [tilespmem:v5+s4+$0x0], $0xffff  }
0xa7: {  	[tilespmem:s20+$0xFFFFFF90] =	vst v0;
	v7 =	vld.idx.msk [tilespmem:v7+s4+$0x0], $0xffff  }
0xa8: {  	v14 =	vld.idx.msk [tilespmem:v14+s4+$0x0], $0xffff;
	[tilespmem:s20+$0xFFFFFFA0] =	vst v1  }
0xa9: {  	[tilespmem:s20+$0xFFFFFFB0] =	vst v2;
	v8 =	vld.idx.msk [tilespmem:v8+s4+$0x0], $0xffff  }
0xaa: {  	[tilespmem:s20+$0xFFFFFFC0] =	vst v3;
	v0 =	vld.idx.msk [tilespmem:v9+s4+$0x0], $0xffff  }
.Ltmp1:
0xab: {  	[tilespmem:s20+$0xFFFFFFD0] =	vst v4;
	v1 =	vld.idx.msk [tilespmem:v10+s4+$0x0], $0xffff;
	(pc) =	sbr.rel @p0 .LBB2_5-.Ltmp1, $4  }
0xac: {  	[tilespmem:s20+$0xFFFFFFE0] =	vst v5;
	v2 =	vld.idx.msk [tilespmem:v11+s4+$0x0], $0xffff  }
0xad: {  	[tilespmem:s20+$0xFFFFFFF0] =	vst v7;
	v3 =	vld.idx.msk [tilespmem:v12+s4+$0x0], $0xffff  }
0xae: {  	[tilespmem:s20+$0xFFFFFF80] =	vst v14;
	v4 =	vld.idx.msk [tilespmem:v13+s4+$0x0], $0xffff  }
0xaf: {  	s22 =	sadd.s32 $0x100, s22;
	[tilespmem:s20+$0x0] =	vst v8;
	v5 =	vld.idx.msk [tilespmem:v6+s4+$0x0], $0xffff  }
0xb0: {  	[tilespmem:s20+$0x10] =	vst v0  }
0xb1: {  	[tilespmem:s20+$0x20] =	vst v1  }
0xb2: {  	[tilespmem:s20+$0x30] =	vst v2  }
0xb3: {  	[tilespmem:s20+$0x40] =	vst v3  }
0xb4: {  	[tilespmem:s20+$0x50] =	vst v4  }
0xb5: {  	s30 =	sadd.s32 s19, s7;
	[tilespmem:s20+$0x60] =	vst v5  }
0xb6: {  	[hbm4b:s30+s11] =	stream.strided.scatter [tilespmem:s15], [sflag:$0x1], $0x1000, s12, s11, $0x38;
	[tilespmem:$0x1E700] =	vst v63  }
0xb7: {  	_ =	swait.ge [sflag:s16], $0x1000  }
0xb8: {  	[sflag:s16] =	ssyncset.done $0x0  }
0xb9: {  	s31 =	simm.s32 $0x1A7F0;
	[sflag:s16] =	ssyncadd.s32 $0xFFFFF000  }
0xba: {  	v0 =	vld [tilespmem:s31+$0x0]  }
0xbb: {  	v1 =	vld [tilespmem:s31+$0xFFFFFF20]  }
0xbc: {  	v2 =	vld [tilespmem:s31+$0xFFFFFF30]  }
0xbd: {  	v3 =	vld [tilespmem:s31+$0xFFFFFF40]  }
0xbe: {  	v4 =	vld [tilespmem:s31+$0xFFFFFF50]  }
0xbf: {  	v5 =	vld [tilespmem:s31+$0xFFFFFF60]  }
0xc0: {  	v6 =	vld [tilespmem:s31+$0xFFFFFF70]  }
0xc1: {  	v7 =	vld [tilespmem:s31+$0xFFFFFF80]  }
0xc2: {  	v8 =	vld [tilespmem:s31+$0xFFFFFF90]  }
0xc3: {  	v9 =	vld [tilespmem:s31+$0xFFFFFFA0]  }
0xc4: {  	v10 =	vld [tilespmem:s31+$0xFFFFFFB0]  }
0xc5: {  	v11 =	vld [tilespmem:s31+$0xFFFFFFC0]  }
0xc6: {  	v12 =	vld [tilespmem:s31+$0xFFFFFFD0]  }
0xc7: {  	v13 =	vld [tilespmem:s31+$0xFFFFFFE0]  }
0xc8: {  	v14 =	vld [tilespmem:s31+$0xFFFFFFF0]  }
0xc9: {  	v15 =	vld [tilespmem:s31+$0xFFFFFF10]  }
0xca: {  	v0 =	vld.idx.msk [tilespmem:v0+s4+$0x0], $0xffff  }
0xcb: {  	v1 =	vld.idx.msk [tilespmem:v1+s4+$0x0], $0xffff  }
0xcc: {  	v2 =	vld.idx.msk [tilespmem:v2+s4+$0x0], $0xffff  }
0xcd: {  	v3 =	vld.idx.msk [tilespmem:v3+s4+$0x0], $0xffff  }
0xce: {  	v4 =	vld.idx.msk [tilespmem:v4+s4+$0x0], $0xffff  }
0xcf: {  	s20 =	simm.s32 $0x1C780;
	v5 =	vld.idx.msk [tilespmem:v5+s4+$0x0], $0xffff  }
0xd0: {  	v6 =	vld.idx.msk [tilespmem:v6+s4+$0x0], $0xffff;
	[tilespmem:s20+$0x70] =	vst v0  }
0xd1: {  	v7 =	vld.idx.msk [tilespmem:v7+s4+$0x0], $0xffff;
	[tilespmem:s20+$0xFFFFFF90] =	vst v1  }
0xd2: {  	v15 =	vld.idx.msk [tilespmem:v15+s4+$0x0], $0xffff;
	[tilespmem:s20+$0xFFFFFFA0] =	vst v2  }
0xd3: {  	v8 =	vld.idx.msk [tilespmem:v8+s4+$0x0], $0xffff;
	[tilespmem:s20+$0xFFFFFFB0] =	vst v3  }
0xd4: {  	[tilespmem:s20+$0xFFFFFFC0] =	vst v4;
	v0 =	vld.idx.msk [tilespmem:v9+s4+$0x0], $0xffff  }
0xd5: {  	[tilespmem:s20+$0xFFFFFFD0] =	vst v5;
	v1 =	vld.idx.msk [tilespmem:v10+s4+$0x0], $0xffff  }
0xd6: {  	[tilespmem:s20+$0xFFFFFFE0] =	vst v6;
	v2 =	vld.idx.msk [tilespmem:v11+s4+$0x0], $0xffff  }
0xd7: {  	[tilespmem:s20+$0xFFFFFFF0] =	vst v7;
	v3 =	vld.idx.msk [tilespmem:v12+s4+$0x0], $0xffff  }
0xd8: {  	[tilespmem:s20+$0xFFFFFF80] =	vst v15;
	v4 =	vld.idx.msk [tilespmem:v13+s4+$0x0], $0xffff  }
0xd9: {  	s21 =	simm.s32 $0x0;
	s22 =	simm.s32 $0x1A8F0;
	[tilespmem:s20+$0x0] =	vst v8;
	v5 =	vld.idx.msk [tilespmem:v14+s4+$0x0], $0xffff  }
.LBB2_7:
0xda: {  	v6 =	vld [tilespmem:s22+$0x0];
	s21 =	sadd.s32 $0x10, s21;
	[tilespmem:s20+$0x10] =	vst v0  }
0xdb: {  	v0 =	vld [tilespmem:s22+$0xFFFFFF20];
	p0 =	slt.u32 s21, $0xF0;
	[tilespmem:s20+$0x20] =	vst v1  }
0xdc: {  	v1 =	vld [tilespmem:s22+$0xFFFFFF30];
	[tilespmem:s20+$0x30] =	vst v2  }
0xdd: {  	v2 =	vld [tilespmem:s22+$0xFFFFFF40];
	[tilespmem:s20+$0x40] =	vst v3  }
0xde: {  	v3 =	vld [tilespmem:s22+$0xFFFFFF50];
	[tilespmem:s20+$0x50] =	vst v4  }
0xdf: {  	v4 =	vld [tilespmem:s22+$0xFFFFFF60];
	[tilespmem:s20+$0x60] =	vst v5  }
0xe0: {  	v5 =	vld [tilespmem:s22+$0xFFFFFF70]  }
0xe1: {  	v7 =	vld [tilespmem:s22+$0xFFFFFF80]  }
0xe2: {  	v6 =	vld.idx.msk [tilespmem:v6+s4+$0x0], $0xffff  }
0xe3: {  	v8 =	vld [tilespmem:s22+$0xFFFFFF90]  }
0xe4: {  	v9 =	vld [tilespmem:s22+$0xFFFFFFA0]  }
0xe5: {  	v10 =	vld [tilespmem:s22+$0xFFFFFFB0]  }
0xe6: {  	v11 =	vld [tilespmem:s22+$0xFFFFFFC0]  }
0xe7: {  	s20 =	sadd.s32 $0x100, s20;
	v12 =	vld [tilespmem:s22+$0xFFFFFFD0]  }
0xe8: {  	v13 =	vld [tilespmem:s22+$0xFFFFFFE0];
	[tilespmem:s20+$0x70] =	vst v6  }
0xe9: {  	v6 =	vld [tilespmem:s22+$0xFFFFFFF0]  }
0xea: {  	v14 =	vld [tilespmem:s22+$0xFFFFFF10]  }
0xeb: {  	v0 =	vld.idx.msk [tilespmem:v0+s4+$0x0], $0xffff  }
0xec: {  	v1 =	vld.idx.msk [tilespmem:v1+s4+$0x0], $0xffff  }
0xed: {  	v2 =	vld.idx.msk [tilespmem:v2+s4+$0x0], $0xffff  }
0xee: {  	v3 =	vld.idx.msk [tilespmem:v3+s4+$0x0], $0xffff  }
0xef: {  	v4 =	vld.idx.msk [tilespmem:v4+s4+$0x0], $0xffff  }
0xf0: {  	v5 =	vld.idx.msk [tilespmem:v5+s4+$0x0], $0xffff  }
0xf1: {  	[tilespmem:s20+$0xFFFFFF90] =	vst v0;
	v7 =	vld.idx.msk [tilespmem:v7+s4+$0x0], $0xffff  }
0xf2: {  	v14 =	vld.idx.msk [tilespmem:v14+s4+$0x0], $0xffff;
	[tilespmem:s20+$0xFFFFFFA0] =	vst v1  }
0xf3: {  	[tilespmem:s20+$0xFFFFFFB0] =	vst v2;
	v8 =	vld.idx.msk [tilespmem:v8+s4+$0x0], $0xffff  }
0xf4: {  	[tilespmem:s20+$0xFFFFFFC0] =	vst v3;
	v0 =	vld.idx.msk [tilespmem:v9+s4+$0x0], $0xffff  }
.Ltmp2:
0xf5: {  	[tilespmem:s20+$0xFFFFFFD0] =	vst v4;
	v1 =	vld.idx.msk [tilespmem:v10+s4+$0x0], $0xffff;
	(pc) =	sbr.rel @p0 .LBB2_7-.Ltmp2, $4  }
0xf6: {  	[tilespmem:s20+$0xFFFFFFE0] =	vst v5;
	v2 =	vld.idx.msk [tilespmem:v11+s4+$0x0], $0xffff  }
0xf7: {  	[tilespmem:s20+$0xFFFFFFF0] =	vst v7;
	v3 =	vld.idx.msk [tilespmem:v12+s4+$0x0], $0xffff  }
0xf8: {  	[tilespmem:s20+$0xFFFFFF80] =	vst v14;
	v4 =	vld.idx.msk [tilespmem:v13+s4+$0x0], $0xffff  }
0xf9: {  	s22 =	sadd.s32 $0x100, s22;
	[tilespmem:s20+$0x0] =	vst v8;
	v5 =	vld.idx.msk [tilespmem:v6+s4+$0x0], $0xffff  }
0xfa: {  	[tilespmem:s20+$0x10] =	vst v0  }
0xfb: {  	[tilespmem:s20+$0x20] =	vst v1  }
0xfc: {  	[tilespmem:s20+$0x30] =	vst v2  }
0xfd: {  	[tilespmem:s20+$0x40] =	vst v3  }
0xfe: {  	[tilespmem:s20+$0x50] =	vst v4  }
0xff: {  	s30 =	sadd.s32 s19, s8;
	[tilespmem:s20+$0x60] =	vst v5  }
0x100: {  	[hbm4b:s30+s11] =	stream.strided.scatter [tilespmem:s14], [sflag:$0x1], $0x1000, s12, s11, $0x38;
	[tilespmem:$0x1E700] =	vst v63  }
0x101: {  	_ =	swait.ge [sflag:s16], $0x1000  }
0x102: {  	[sflag:s16] =	ssyncset.done $0x0  }
0x103: {  	s31 =	simm.s32 $0x1B7F0;
	[sflag:s16] =	ssyncadd.s32 $0xFFFFF000  }
0x104: {  	v0 =	vld [tilespmem:s31+$0x0]  }
0x105: {  	v1 =	vld [tilespmem:s31+$0xFFFFFF20]  }
0x106: {  	v2 =	vld [tilespmem:s31+$0xFFFFFF30]  }
0x107: {  	v3 =	vld [tilespmem:s31+$0xFFFFFF40]  }
0x108: {  	v4 =	vld [tilespmem:s31+$0xFFFFFF50]  }
0x109: {  	v5 =	vld [tilespmem:s31+$0xFFFFFF60]  }
0x10a: {  	v6 =	vld [tilespmem:s31+$0xFFFFFF70]  }
0x10b: {  	v7 =	vld [tilespmem:s31+$0xFFFFFF80]  }
0x10c: {  	v8 =	vld [tilespmem:s31+$0xFFFFFF90]  }
0x10d: {  	v9 =	vld [tilespmem:s31+$0xFFFFFFA0]  }
0x10e: {  	v10 =	vld [tilespmem:s31+$0xFFFFFFB0]  }
0x10f: {  	v11 =	vld [tilespmem:s31+$0xFFFFFFC0]  }
0x110: {  	v12 =	vld [tilespmem:s31+$0xFFFFFFD0]  }
0x111: {  	v13 =	vld [tilespmem:s31+$0xFFFFFFE0]  }
0x112: {  	v14 =	vld [tilespmem:s31+$0xFFFFFFF0]  }
0x113: {  	v15 =	vld [tilespmem:s31+$0xFFFFFF10]  }
0x114: {  	v0 =	vld.idx.msk [tilespmem:v0+s4+$0x0], $0xffff  }
0x115: {  	v1 =	vld.idx.msk [tilespmem:v1+s4+$0x0], $0xffff  }
0x116: {  	v2 =	vld.idx.msk [tilespmem:v2+s4+$0x0], $0xffff  }
0x117: {  	v3 =	vld.idx.msk [tilespmem:v3+s4+$0x0], $0xffff  }
0x118: {  	v4 =	vld.idx.msk [tilespmem:v4+s4+$0x0], $0xffff  }
0x119: {  	s20 =	simm.s32 $0x1D780;
	v5 =	vld.idx.msk [tilespmem:v5+s4+$0x0], $0xffff  }
0x11a: {  	v6 =	vld.idx.msk [tilespmem:v6+s4+$0x0], $0xffff;
	[tilespmem:s20+$0x70] =	vst v0  }
0x11b: {  	v7 =	vld.idx.msk [tilespmem:v7+s4+$0x0], $0xffff;
	[tilespmem:s20+$0xFFFFFF90] =	vst v1  }
0x11c: {  	v15 =	vld.idx.msk [tilespmem:v15+s4+$0x0], $0xffff;
	[tilespmem:s20+$0xFFFFFFA0] =	vst v2  }
0x11d: {  	v8 =	vld.idx.msk [tilespmem:v8+s4+$0x0], $0xffff;
	[tilespmem:s20+$0xFFFFFFB0] =	vst v3  }
0x11e: {  	[tilespmem:s20+$0xFFFFFFC0] =	vst v4;
	v0 =	vld.idx.msk [tilespmem:v9+s4+$0x0], $0xffff  }
0x11f: {  	[tilespmem:s20+$0xFFFFFFD0] =	vst v5;
	v1 =	vld.idx.msk [tilespmem:v10+s4+$0x0], $0xffff  }
0x120: {  	[tilespmem:s20+$0xFFFFFFE0] =	vst v6;
	v2 =	vld.idx.msk [tilespmem:v11+s4+$0x0], $0xffff  }
0x121: {  	[tilespmem:s20+$0xFFFFFFF0] =	vst v7;
	v3 =	vld.idx.msk [tilespmem:v12+s4+$0x0], $0xffff  }
0x122: {  	[tilespmem:s20+$0xFFFFFF80] =	vst v15;
	v4 =	vld.idx.msk [tilespmem:v13+s4+$0x0], $0xffff  }
0x123: {  	s21 =	simm.s32 $0x0;
	s22 =	simm.s32 $0x1B8F0;
	[tilespmem:s20+$0x0] =	vst v8;
	v5 =	vld.idx.msk [tilespmem:v14+s4+$0x0], $0xffff  }
.LBB2_9:
0x124: {  	v6 =	vld [tilespmem:s22+$0x0];
	s21 =	sadd.s32 $0x10, s21;
	[tilespmem:s20+$0x10] =	vst v0  }
0x125: {  	v0 =	vld [tilespmem:s22+$0xFFFFFF20];
	p0 =	slt.u32 s21, $0xF0;
	[tilespmem:s20+$0x20] =	vst v1  }
0x126: {  	v1 =	vld [tilespmem:s22+$0xFFFFFF30];
	[tilespmem:s20+$0x30] =	vst v2  }
0x127: {  	v2 =	vld [tilespmem:s22+$0xFFFFFF40];
	[tilespmem:s20+$0x40] =	vst v3  }
0x128: {  	v3 =	vld [tilespmem:s22+$0xFFFFFF50];
	[tilespmem:s20+$0x50] =	vst v4  }
0x129: {  	v4 =	vld [tilespmem:s22+$0xFFFFFF60];
	[tilespmem:s20+$0x60] =	vst v5  }
0x12a: {  	v5 =	vld [tilespmem:s22+$0xFFFFFF70]  }
0x12b: {  	v7 =	vld [tilespmem:s22+$0xFFFFFF80]  }
0x12c: {  	v6 =	vld.idx.msk [tilespmem:v6+s4+$0x0], $0xffff  }
0x12d: {  	v8 =	vld [tilespmem:s22+$0xFFFFFF90]  }
0x12e: {  	v9 =	vld [tilespmem:s22+$0xFFFFFFA0]  }
0x12f: {  	v10 =	vld [tilespmem:s22+$0xFFFFFFB0]  }
0x130: {  	v11 =	vld [tilespmem:s22+$0xFFFFFFC0]  }
0x131: {  	s20 =	sadd.s32 $0x100, s20;
	v12 =	vld [tilespmem:s22+$0xFFFFFFD0]  }
0x132: {  	v13 =	vld [tilespmem:s22+$0xFFFFFFE0];
	[tilespmem:s20+$0x70] =	vst v6  }
0x133: {  	v6 =	vld [tilespmem:s22+$0xFFFFFFF0]  }
0x134: {  	v14 =	vld [tilespmem:s22+$0xFFFFFF10]  }
0x135: {  	v0 =	vld.idx.msk [tilespmem:v0+s4+$0x0], $0xffff  }
0x136: {  	v1 =	vld.idx.msk [tilespmem:v1+s4+$0x0], $0xffff  }
0x137: {  	v2 =	vld.idx.msk [tilespmem:v2+s4+$0x0], $0xffff  }
0x138: {  	v3 =	vld.idx.msk [tilespmem:v3+s4+$0x0], $0xffff  }
0x139: {  	v4 =	vld.idx.msk [tilespmem:v4+s4+$0x0], $0xffff  }
0x13a: {  	v5 =	vld.idx.msk [tilespmem:v5+s4+$0x0], $0xffff  }
0x13b: {  	[tilespmem:s20+$0xFFFFFF90] =	vst v0;
	v7 =	vld.idx.msk [tilespmem:v7+s4+$0x0], $0xffff  }
0x13c: {  	v14 =	vld.idx.msk [tilespmem:v14+s4+$0x0], $0xffff;
	[tilespmem:s20+$0xFFFFFFA0] =	vst v1  }
0x13d: {  	[tilespmem:s20+$0xFFFFFFB0] =	vst v2;
	v8 =	vld.idx.msk [tilespmem:v8+s4+$0x0], $0xffff  }
0x13e: {  	[tilespmem:s20+$0xFFFFFFC0] =	vst v3;
	v0 =	vld.idx.msk [tilespmem:v9+s4+$0x0], $0xffff  }
.Ltmp3:
0x13f: {  	[tilespmem:s20+$0xFFFFFFD0] =	vst v4;
	v1 =	vld.idx.msk [tilespmem:v10+s4+$0x0], $0xffff;
	(pc) =	sbr.rel @p0 .LBB2_9-.Ltmp3, $4  }
0x140: {  	[tilespmem:s20+$0xFFFFFFE0] =	vst v5;
	v2 =	vld.idx.msk [tilespmem:v11+s4+$0x0], $0xffff  }
0x141: {  	[tilespmem:s20+$0xFFFFFFF0] =	vst v7;
	v3 =	vld.idx.msk [tilespmem:v12+s4+$0x0], $0xffff  }
0x142: {  	[tilespmem:s20+$0xFFFFFF80] =	vst v14;
	v4 =	vld.idx.msk [tilespmem:v13+s4+$0x0], $0xffff  }
0x143: {  	s22 =	sadd.s32 $0x100, s22;
	[tilespmem:s20+$0x0] =	vst v8;
	v5 =	vld.idx.msk [tilespmem:v6+s4+$0x0], $0xffff  }
0x144: {  	[tilespmem:s20+$0x10] =	vst v0;
	s18 =	sadd.s32 $0x1, s18  }
0x145: {  	[tilespmem:s20+$0x20] =	vst v1;
	p0 =	sne.s32 s18, $0x1A  }
.Ltmp4:
0x146: {  	[tilespmem:s20+$0x30] =	vst v2;
	(pc) =	sbr.rel @p0 .LBB2_2-.Ltmp4, $4  }
0x147: {  	[tilespmem:s20+$0x40] =	vst v3  }
0x148: {  	[tilespmem:s20+$0x50] =	vst v4  }
0x149: {  	s19 =	sadd.s32 s19, s9;
	[tilespmem:s20+$0x60] =	vst v5  }
0x14a: {  	[hbm4b:s19+s11] =	stream.strided.scatter [tilespmem:s15], [sflag:$0x1], $0x1000, s12, s11, $0x38;
	[tilespmem:$0x1E700] =	vst v63  }
0x14b: {  	s17 =	sadd.s32 $0x1, s17  }
0x14c: {  	_ =	swait.ge [sflag:s16], $0x1000;
	p0 =	sne.s32 s17, s10  }
.Ltmp5:
0x14d: {  	[sflag:s16] =	ssyncset.done $0x0;
	(pc) =	sbr.rel @p0 .LBB2_1-.Ltmp5, $4  }
0x14e: {  	[sflag:s16] =	ssyncadd.s32 $0xFFFFF000  }
0x14f: {  	_ =	swait.ge [sflag:s16], $0x1000  }
0x150: {  	[sflag:s16] =	ssyncset.done $0x0  }
0x151: {  	[sflag:s16] =	ssyncadd.s32 $0xFFFFF000  }
0x152: {  	_ =	sfence.sel $0x180000  }
0x153: {  	[bflag:$0x0] =	sbarrier.arrive $0xFFFF  }
0x154: {  	p0 =	sne.s32 s3, $0x0;
	_ =	strace $0x90000047  }
0x155: {  	s0 =	sadd.s32 @!p0 $0x100000, s0;
	[bflag:$0x2] =	sbarrier.arrive $0xFFFF  }
0x156: {  	[sflag:s0] =	ssyncadd.tile.s32 @!p0 $0x1;
	_ =	shalt  }
.Lfunc_end2:
_tile_overlayer_lowered:
.L_overlay_start_2:
0x157: {  	(tag) =	ssettag $0x2  }
0x158: {  	s0 =	rddreg [dreg:$0x0];
	s2 =	stileid.u32  }
0x159: {  	s1 =	rddreg [dreg:$0x1];
	p0 =	sne.s32 s2, $0x0  }
0x15a: {  	s3 =	rddreg [dreg:$0x2];
	[bflag:$0x3] =	sbarrier.arrive $0xFFFF;
	s2 =	simm.s32 @!p0 $0x1C02  }
0x15b: {  	[timem:s3], [sflag:s2] =	dma.local @!p0 [hbm:s0], s1  }
0x15c: {  	s0 =	simm.s32 @!p0 $0x2  }
0x15d: {  	_ =	swait.ge @!p0 [sflag:s0], s1  }
0x15e: {  	s1 =	ssub.s32 @!p0 $0x0, s1;
	[sflag:s0] =	ssyncset.done @!p0 $0x0  }
0x15f: {  	[sflag:s0] =	ssyncadd.s32 @!p0 s1  }
0x160: {  	[bflag:$0x3] =	sbarrier.arrive $0xFFFF  }
0x161: {  	_ =	shalt  }

</sc_bundles>
